<compile_context>
chip_gen: v7x
topology: tpu7x:2x2x1
jax: 0.10.2.dev20260603
libtpu: 0.0.44.dev20260713+nightly
codegen_flags: <defaults>
</compile_context>

<pallas_src>
import functools

import jax
import jax.numpy as jnp
from jax import lax
from jax.experimental import pallas as pl
from jax.experimental.pallas import tpu as pltpu
from jax.experimental.pallas import tpu_sc as plsc

N_TOKENS = 4096
N_CODES = 16384
DIM = 2048
BM = 2048
BN = 512
NJ = N_CODES // BN


def _piece(d, j, c0, width, start, close, accv_ref, acci_ref,
           winv_ref, wini_ref):
    dp = d[:, c0:c0 + width]
    pmin = jnp.min(dp, axis=1, keepdims=True)
    cols = jax.lax.broadcasted_iota(jnp.int32, dp.shape, 1)
    ploc = jnp.min(jnp.where(dp == pmin, cols, N_CODES),
                   axis=1, keepdims=True)
    pidx = ploc + (j * BN + c0)
    if start:
        winv_ref[...] = pmin
        wini_ref[...] = pidx
    else:
        upd = pmin < winv_ref[...]
        winv_ref[...] = jnp.where(upd, pmin, winv_ref[...])
        wini_ref[...] = jnp.where(upd, pidx, wini_ref[...])
    if close:
        aupd = winv_ref[...] < accv_ref[...]
        accv_ref[...] = jnp.where(
            aupd, winv_ref[...].astype(jnp.bfloat16).astype(jnp.float32),
            accv_ref[...])
        acci_ref[...] = jnp.where(aupd, wini_ref[...], acci_ref[...])


def _vq_argmin_body(x_ref, e_ref, x2_ref, idx_ref,
                    accv_ref, acci_ref, winv_ref, wini_ref):
    j = pl.program_id(1)
    e_blk = e_ref[...]
    dot = jax.lax.dot_general(
        x_ref[...], e_blk, (((1,), (1,)), ((), ())),
        preferred_element_type=jnp.float32)
    e2 = jnp.sum(e_blk * e_blk, axis=1)[None, :]
    d = (x2_ref[...] + e2) - 2.0 * dot

    @pl.when(j == 0)
    def _():
        accv_ref[...] = jnp.full_like(accv_ref[...], jnp.inf)
        acci_ref[...] = jnp.zeros_like(acci_ref[...])

    refs = (accv_ref, acci_ref, winv_ref, wini_ref)
    patterns = {
        0: [(0, 512, True, False)],
        1: [(0, 512, False, False)],
        2: [(0, 256, False, True), (256, 256, True, False)],
        3: [(0, 512, False, False)],
        4: [(0, 512, False, True)],
    }
    for pat, pieces in patterns.items():
        cond = j % 5 == pat
        if pat == 1:
            cond = jnp.logical_and(cond, j != NJ - 1)

        @pl.when(cond)
        def _(pieces=pieces):
            for (c0, w, st, cl) in pieces:
                _piece(d, j, c0, w, st, cl, *refs)

    @pl.when(j == NJ - 1)
    def _():
        _piece(d, j, 0, 512, False, True, *refs)
        idx_ref[...] = acci_ref[...]


@jax.jit
def kernel(x, embedding):
    x2 = jnp.sum(x ** 2, axis=1, keepdims=True)

    grid = (N_TOKENS // BM, NJ)
    idx2d = pl.pallas_call(
        _vq_argmin_body,
        grid=grid,
        in_specs=[
            pl.BlockSpec((BM, DIM), lambda i, j: (i, 0)),
            pl.BlockSpec((BN, DIM), lambda i, j: (j, 0)),
            pl.BlockSpec((BM, 1), lambda i, j: (i, 0)),
        ],
        out_specs=pl.BlockSpec((BM, 1), lambda i, j: (i, 0)),
        out_shape=jax.ShapeDtypeStruct((N_TOKENS, 1), jnp.int32),
        scratch_shapes=[
            pltpu.VMEM((BM, 1), jnp.float32),
            pltpu.VMEM((BM, 1), jnp.int32),
            pltpu.VMEM((BM, 1), jnp.float32),
            pltpu.VMEM((BM, 1), jnp.int32),
        ],
        compiler_params=pltpu.CompilerParams(
            dimension_semantics=("parallel", "arbitrary")),
    )(x, embedding, x2)

    indices = idx2d[:, 0]
    z_q = _sc_gather(embedding, indices)
    return (z_q, indices)


_B_PER_W = 128
_CHUNK = 16


def _sc_gather_body(table_hbm, idx_hbm, out_hbm, idx_v, rows0, rows1,
                    sem0, sem1):
    wid = lax.axis_index("s") * 2 + lax.axis_index("c")
    base = wid * _B_PER_W
    pltpu.sync_copy(idx_hbm.at[pl.ds(base, _B_PER_W)], idx_v)
    rows = (rows0, rows1)
    sems = (sem0, sem1)
    nch = _B_PER_W // _CHUNK
    handles = [None, None]
    handles[0] = pltpu.async_copy(
        table_hbm.at[idx_v.at[pl.ds(0, _CHUNK)]], rows[0], sems[0])
    for c in range(nch):
        if c + 1 < nch:
            handles[(c + 1) % 2] = pltpu.async_copy(
                table_hbm.at[idx_v.at[pl.ds((c + 1) * _CHUNK, _CHUNK)]],
                rows[(c + 1) % 2], sems[(c + 1) % 2])
        handles[c % 2].wait()
        pltpu.sync_copy(rows[c % 2],
                        out_hbm.at[pl.ds(base + c * _CHUNK, _CHUNK)])


@functools.partial(jax.jit, static_argnames=())
def _sc_gather(embedding, indices):
    mesh = plsc.VectorSubcoreMesh(core_axis_name="c", subcore_axis_name="s")
    kern = functools.partial(
        pl.kernel,
        out_type=jax.ShapeDtypeStruct((N_TOKENS, DIM), jnp.float32),
        mesh=mesh,
        scratch_types=[
            pltpu.VMEM((_B_PER_W,), jnp.int32),
            pltpu.VMEM((_CHUNK, DIM), jnp.float32),
            pltpu.VMEM((_CHUNK, DIM), jnp.float32),
            pltpu.SemaphoreType.DMA,
            pltpu.SemaphoreType.DMA,
        ],
    )(_sc_gather_body)
    return kern(embedding, indices)

# --- scband reference (transcript-rebuilt; emitter-appended) ---
"""Pipeline reference for scband-vq-1159641170533 (READ-ONLY COPY).

The authoritative reference and input builder live on the scoring server;
editing this copy changes nothing except your own understanding.
"""

import jax, jax.numpy as jnp
import numpy as np

N_E = 16384
E_DIM = 2048
N_TOK = 4096

def setup_inputs(seed: int = 0) -> dict:
    key = jax.random.key(seed)
    k1, k2 = jax.random.split(key)
    x = jax.random.normal(k1, (N_TOK, E_DIM), dtype=jnp.float32)
    embedding = jax.random.uniform(k2, (N_E, E_DIM), dtype=jnp.float32, minval=-1.0 / N_E, maxval=1.0 / N_E)
    return {"x": x, "embedding": embedding}

def reference(x, embedding):
    # VQ.forward with use_transformer=False, has_mlp_pre=False -> IBQ inference path
    # d[b, n] = ||x_b||^2 + ||e_n||^2 - 2 <x_b, e_n>
    d = (jnp.sum(x ** 2, axis=1, keepdims=True)
         + jnp.sum(embedding ** 2, axis=1)
         - 2.0 * jnp.einsum('bd,dn->bn', x, embedding.T))
    min_encoding_indices = jnp.argmin(d, axis=1)
    z_q = jnp.take(embedding, min_encoding_indices, axis=0)
    return (z_q, min_encoding_indices)

if __name__ == "__main__":
    import jax
    _d = setup_inputs()
    print(jax.jit(kernel)(*tuple(_d.values())))

</pallas_src>

<mosaic_0001>
#map = affine_map<(d0, d1) -> (0, 0)>
#map1 = affine_map<(d0, d1) -> (0)>
module attributes {stable_mosaic.version = 14 : i64} {
  func.func @_sc_gather_body(%arg0: i32, %arg1: i32, %arg2: memref<16384x2048xf32, #tpu.memory_space<hbm>>, %arg3: memref<4096xi32, #tpu.memory_space<hbm>>, %arg4: memref<4096x2048xf32, #tpu.memory_space<hbm>>, %arg5: memref<128xi32, #tpu.memory_space<vmem>>, %arg6: memref<16x2048xf32, #tpu.memory_space<vmem>>, %arg7: memref<16x2048xf32, #tpu.memory_space<vmem>>, %arg8: memref<!tpu.dma_semaphore, #tpu.memory_space<semaphore_mem>>, %arg9: memref<!tpu.dma_semaphore, #tpu.memory_space<semaphore_mem>>) attributes {dimension_semantics = [#tpu.dimension_semantics<core_parallel>, #tpu.dimension_semantics<subcore_parallel>], iteration_bounds = array<i64: 2, 16>, scalar_prefetch = 0 : i64, scratch_operands = 5 : i64, tpu.core_type = #tpu.core_type<sc_vector_subcore>, window_params = [{transform_indices = #map}, {transform_indices = #map1}, {transform_indices = #map}]} {
    %mul3A = arith.constant 2 : i32
    %mul3A_0 = arith.muli %arg1, %mul3A : i32
    %add3A = arith.addi %mul3A_0, %arg0 : i32
    %mul3A_1 = arith.constant 128 : i32
    %mul3A_2 = arith.muli %add3A, %mul3A_1 : i32
    "tpu.region"() ({
      %run_scoped3A = tpu.sem_alloc : memref<!tpu.dma_semaphore, #tpu.memory_space<semaphore_mem>>
      %dma_start3A_97 = tpu.memref_slice %arg3[%mul3A_2] : memref<4096xi32, #tpu.memory_space<hbm>> -> memref<128xi32, #tpu.memory_space<hbm>>
      %dma_start3A_98 = tpu.memref_slice %arg3[%mul3A_2] : memref<4096xi32, #tpu.memory_space<hbm>> -> memref<128xi32, #tpu.memory_space<hbm>>
      tpu.enqueue_dma source(%dma_start3A_98 : memref<128xi32, #tpu.memory_space<hbm>>) target(%arg5 : memref<128xi32, #tpu.memory_space<vmem>>) target_semaphore(%run_scoped3A : memref<!tpu.dma_semaphore, #tpu.memory_space<semaphore_mem>>)
      %dma_wait3A_99 = tpu.memref_slice %arg3[%mul3A_2] : memref<4096xi32, #tpu.memory_space<hbm>> -> memref<128xi32, #tpu.memory_space<hbm>>
      %dma_wait3A_100 = tpu.memref_slice %arg3[%mul3A_2] : memref<4096xi32, #tpu.memory_space<hbm>> -> memref<128xi32, #tpu.memory_space<hbm>>
      tpu.wait_dma2 semaphore(%run_scoped3A : memref<!tpu.dma_semaphore, #tpu.memory_space<semaphore_mem>>) src(%dma_wait3A_100 : memref<128xi32, #tpu.memory_space<hbm>>) dst(%arg5 : memref<128xi32, #tpu.memory_space<vmem>>)
      tpu.yield
    }) : () -> ()
    %dma_start3A = arith.constant 0 : i32
    %dma_start3A_3 = tpu.memref_slice %arg5[%dma_start3A] : memref<128xi32, #tpu.memory_space<vmem>> -> memref<16xi32, #tpu.memory_space<vmem>>
    %dma_start3A_4 = arith.constant 0 : i32
    %dma_start3A_5 = arith.constant 0 : i32
    %dma_start3A_6 = tpu.memref_slice %arg2[%dma_start3A_4, %dma_start3A_5] : memref<16384x2048xf32, #tpu.memory_space<hbm>> -> memref<16384x2048xf32, #tpu.memory_space<hbm>>
    tpu.enqueue_indirect_dma source(%dma_start3A_6 : memref<16384x2048xf32, #tpu.memory_space<hbm>>) target(%arg6 : memref<16x2048xf32, #tpu.memory_space<vmem>>) offsets(%dma_start3A_3 : memref<16xi32, #tpu.memory_space<vmem>>) semaphore(%arg8 : memref<!tpu.dma_semaphore, #tpu.memory_space<semaphore_mem>>)
    %dma_start3A_7 = arith.constant 16 : i32
    %dma_start3A_8 = tpu.memref_slice %arg5[%dma_start3A_7] : memref<128xi32, #tpu.memory_space<vmem>> -> memref<16xi32, #tpu.memory_space<vmem>>
    %dma_start3A_9 = arith.constant 0 : i32
    %dma_start3A_10 = arith.constant 0 : i32
    %dma_start3A_11 = tpu.memref_slice %arg2[%dma_start3A_9, %dma_start3A_10] : memref<16384x2048xf32, #tpu.memory_space<hbm>> -> memref<16384x2048xf32, #tpu.memory_space<hbm>>
    tpu.enqueue_indirect_dma source(%dma_start3A_11 : memref<16384x2048xf32, #tpu.memory_space<hbm>>) target(%arg7 : memref<16x2048xf32, #tpu.memory_space<vmem>>) offsets(%dma_start3A_8 : memref<16xi32, #tpu.memory_space<vmem>>) semaphore(%arg9 : memref<!tpu.dma_semaphore, #tpu.memory_space<semaphore_mem>>)
    %dma_wait3A = arith.constant 0 : i32
    %dma_wait3A_12 = tpu.memref_slice %arg5[%dma_wait3A] : memref<128xi32, #tpu.memory_space<vmem>> -> memref<16xi32, #tpu.memory_space<vmem>>
    %dma_wait3A_13 = arith.constant 0 : i32
    %dma_wait3A_14 = arith.constant 0 : i32
    %dma_wait3A_15 = tpu.memref_slice %arg2[%dma_wait3A_13, %dma_wait3A_14] : memref<16384x2048xf32, #tpu.memory_space<hbm>> -> memref<16384x2048xf32, #tpu.memory_space<hbm>>
    tpu.wait_indirect_dma semaphore(%arg8 : memref<!tpu.dma_semaphore, #tpu.memory_space<semaphore_mem>>) src(%dma_wait3A_15 : memref<16384x2048xf32, #tpu.memory_space<hbm>>) dst(%arg6 : memref<16x2048xf32, #tpu.memory_space<vmem>>)
    %add3A_16 = arith.constant 0 : i32
    %add3A_17 = arith.addi %mul3A_2, %add3A_16 : i32
    "tpu.region"() ({
      %run_scoped3A = tpu.sem_alloc : memref<!tpu.dma_semaphore, #tpu.memory_space<semaphore_mem>>
      %dma_start3A_97 = arith.constant 0 : i32
      %dma_start3A_98 = tpu.memref_slice %arg4[%add3A_17, %dma_start3A_97] : memref<4096x2048xf32, #tpu.memory_space<hbm>> -> memref<16x2048xf32, #tpu.memory_space<hbm>>
      %dma_start3A_99 = arith.constant 0 : i32
      %dma_start3A_100 = tpu.memref_slice %arg4[%add3A_17, %dma_start3A_99] : memref<4096x2048xf32, #tpu.memory_space<hbm>> -> memref<16x2048xf32, #tpu.memory_space<hbm>>
      tpu.enqueue_dma source(%arg6 : memref<16x2048xf32, #tpu.memory_space<vmem>>) target(%dma_start3A_100 : memref<16x2048xf32, #tpu.memory_space<hbm>>) target_semaphore(%run_scoped3A : memref<!tpu.dma_semaphore, #tpu.memory_space<semaphore_mem>>)
      %dma_wait3A_101 = arith.constant 0 : i32
      %dma_wait3A_102 = tpu.memref_slice %arg4[%add3A_17, %dma_wait3A_101] : memref<4096x2048xf32, #tpu.memory_space<hbm>> -> memref<16x2048xf32, #tpu.memory_space<hbm>>
      %dma_wait3A_103 = arith.constant 0 : i32
      %dma_wait3A_104 = tpu.memref_slice %arg4[%add3A_17, %dma_wait3A_103] : memref<4096x2048xf32, #tpu.memory_space<hbm>> -> memref<16x2048xf32, #tpu.memory_space<hbm>>
      tpu.wait_dma2 semaphore(%run_scoped3A : memref<!tpu.dma_semaphore, #tpu.memory_space<semaphore_mem>>) src(%arg6 : memref<16x2048xf32, #tpu.memory_space<vmem>>) dst(%dma_wait3A_104 : memref<16x2048xf32, #tpu.memory_space<hbm>>)
      tpu.yield
    }) : () -> ()
    %dma_start3A_18 = arith.constant 32 : i32
    %dma_start3A_19 = tpu.memref_slice %arg5[%dma_start3A_18] : memref<128xi32, #tpu.memory_space<vmem>> -> memref<16xi32, #tpu.memory_space<vmem>>
    %dma_start3A_20 = arith.constant 0 : i32
    %dma_start3A_21 = arith.constant 0 : i32
    %dma_start3A_22 = tpu.memref_slice %arg2[%dma_start3A_20, %dma_start3A_21] : memref<16384x2048xf32, #tpu.memory_space<hbm>> -> memref<16384x2048xf32, #tpu.memory_space<hbm>>
    tpu.enqueue_indirect_dma source(%dma_start3A_22 : memref<16384x2048xf32, #tpu.memory_space<hbm>>) target(%arg6 : memref<16x2048xf32, #tpu.memory_space<vmem>>) offsets(%dma_start3A_19 : memref<16xi32, #tpu.memory_space<vmem>>) semaphore(%arg8 : memref<!tpu.dma_semaphore, #tpu.memory_space<semaphore_mem>>)
    %dma_wait3A_23 = arith.constant 16 : i32
    %dma_wait3A_24 = tpu.memref_slice %arg5[%dma_wait3A_23] : memref<128xi32, #tpu.memory_space<vmem>> -> memref<16xi32, #tpu.memory_space<vmem>>
    %dma_wait3A_25 = arith.constant 0 : i32
    %dma_wait3A_26 = arith.constant 0 : i32
    %dma_wait3A_27 = tpu.memref_slice %arg2[%dma_wait3A_25, %dma_wait3A_26] : memref<16384x2048xf32, #tpu.memory_space<hbm>> -> memref<16384x2048xf32, #tpu.memory_space<hbm>>
    tpu.wait_indirect_dma semaphore(%arg9 : memref<!tpu.dma_semaphore, #tpu.memory_space<semaphore_mem>>) src(%dma_wait3A_27 : memref<16384x2048xf32, #tpu.memory_space<hbm>>) dst(%arg7 : memref<16x2048xf32, #tpu.memory_space<vmem>>)
    %add3A_28 = arith.constant 16 : i32
    %add3A_29 = arith.addi %mul3A_2, %add3A_28 : i32
    "tpu.region"() ({
      %run_scoped3A = tpu.sem_alloc : memref<!tpu.dma_semaphore, #tpu.memory_space<semaphore_mem>>
      %dma_start3A_97 = arith.constant 0 : i32
      %dma_start3A_98 = tpu.memref_slice %arg4[%add3A_29, %dma_start3A_97] : memref<4096x2048xf32, #tpu.memory_space<hbm>> -> memref<16x2048xf32, #tpu.memory_space<hbm>>
      %dma_start3A_99 = arith.constant 0 : i32
      %dma_start3A_100 = tpu.memref_slice %arg4[%add3A_29, %dma_start3A_99] : memref<4096x2048xf32, #tpu.memory_space<hbm>> -> memref<16x2048xf32, #tpu.memory_space<hbm>>
      tpu.enqueue_dma source(%arg7 : memref<16x2048xf32, #tpu.memory_space<vmem>>) target(%dma_start3A_100 : memref<16x2048xf32, #tpu.memory_space<hbm>>) target_semaphore(%run_scoped3A : memref<!tpu.dma_semaphore, #tpu.memory_space<semaphore_mem>>)
      %dma_wait3A_101 = arith.constant 0 : i32
      %dma_wait3A_102 = tpu.memref_slice %arg4[%add3A_29, %dma_wait3A_101] : memref<4096x2048xf32, #tpu.memory_space<hbm>> -> memref<16x2048xf32, #tpu.memory_space<hbm>>
      %dma_wait3A_103 = arith.constant 0 : i32
      %dma_wait3A_104 = tpu.memref_slice %arg4[%add3A_29, %dma_wait3A_103] : memref<4096x2048xf32, #tpu.memory_space<hbm>> -> memref<16x2048xf32, #tpu.memory_space<hbm>>
      tpu.wait_dma2 semaphore(%run_scoped3A : memref<!tpu.dma_semaphore, #tpu.memory_space<semaphore_mem>>) src(%arg7 : memref<16x2048xf32, #tpu.memory_space<vmem>>) dst(%dma_wait3A_104 : memref<16x2048xf32, #tpu.memory_space<hbm>>)
      tpu.yield
    }) : () -> ()
    %dma_start3A_30 = arith.constant 48 : i32
    %dma_start3A_31 = tpu.memref_slice %arg5[%dma_start3A_30] : memref<128xi32, #tpu.memory_space<vmem>> -> memref<16xi32, #tpu.memory_space<vmem>>
    %dma_start3A_32 = arith.constant 0 : i32
    %dma_start3A_33 = arith.constant 0 : i32
    %dma_start3A_34 = tpu.memref_slice %arg2[%dma_start3A_32, %dma_start3A_33] : memref<16384x2048xf32, #tpu.memory_space<hbm>> -> memref<16384x2048xf32, #tpu.memory_space<hbm>>
    tpu.enqueue_indirect_dma source(%dma_start3A_34 : memref<16384x2048xf32, #tpu.memory_space<hbm>>) target(%arg7 : memref<16x2048xf32, #tpu.memory_space<vmem>>) offsets(%dma_start3A_31 : memref<16xi32, #tpu.memory_space<vmem>>) semaphore(%arg9 : memref<!tpu.dma_semaphore, #tpu.memory_space<semaphore_mem>>)
    %dma_wait3A_35 = arith.constant 32 : i32
    %dma_wait3A_36 = tpu.memref_slice %arg5[%dma_wait3A_35] : memref<128xi32, #tpu.memory_space<vmem>> -> memref<16xi32, #tpu.memory_space<vmem>>
    %dma_wait3A_37 = arith.constant 0 : i32
    %dma_wait3A_38 = arith.constant 0 : i32
    %dma_wait3A_39 = tpu.memref_slice %arg2[%dma_wait3A_37, %dma_wait3A_38] : memref<16384x2048xf32, #tpu.memory_space<hbm>> -> memref<16384x2048xf32, #tpu.memory_space<hbm>>
    tpu.wait_indirect_dma semaphore(%arg8 : memref<!tpu.dma_semaphore, #tpu.memory_space<semaphore_mem>>) src(%dma_wait3A_39 : memref<16384x2048xf32, #tpu.memory_space<hbm>>) dst(%arg6 : memref<16x2048xf32, #tpu.memory_space<vmem>>)
    %add3A_40 = arith.constant 32 : i32
    %add3A_41 = arith.addi %mul3A_2, %add3A_40 : i32
    "tpu.region"() ({
      %run_scoped3A = tpu.sem_alloc : memref<!tpu.dma_semaphore, #tpu.memory_space<semaphore_mem>>
      %dma_start3A_97 = arith.constant 0 : i32
      %dma_start3A_98 = tpu.memref_slice %arg4[%add3A_41, %dma_start3A_97] : memref<4096x2048xf32, #tpu.memory_space<hbm>> -> memref<16x2048xf32, #tpu.memory_space<hbm>>
      %dma_start3A_99 = arith.constant 0 : i32
      %dma_start3A_100 = tpu.memref_slice %arg4[%add3A_41, %dma_start3A_99] : memref<4096x2048xf32, #tpu.memory_space<hbm>> -> memref<16x2048xf32, #tpu.memory_space<hbm>>
      tpu.enqueue_dma source(%arg6 : memref<16x2048xf32, #tpu.memory_space<vmem>>) target(%dma_start3A_100 : memref<16x2048xf32, #tpu.memory_space<hbm>>) target_semaphore(%run_scoped3A : memref<!tpu.dma_semaphore, #tpu.memory_space<semaphore_mem>>)
      %dma_wait3A_101 = arith.constant 0 : i32
      %dma_wait3A_102 = tpu.memref_slice %arg4[%add3A_41, %dma_wait3A_101] : memref<4096x2048xf32, #tpu.memory_space<hbm>> -> memref<16x2048xf32, #tpu.memory_space<hbm>>
      %dma_wait3A_103 = arith.constant 0 : i32
      %dma_wait3A_104 = tpu.memref_slice %arg4[%add3A_41, %dma_wait3A_103] : memref<4096x2048xf32, #tpu.memory_space<hbm>> -> memref<16x2048xf32, #tpu.memory_space<hbm>>
      tpu.wait_dma2 semaphore(%run_scoped3A : memref<!tpu.dma_semaphore, #tpu.memory_space<semaphore_mem>>) src(%arg6 : memref<16x2048xf32, #tpu.memory_space<vmem>>) dst(%dma_wait3A_104 : memref<16x2048xf32, #tpu.memory_space<hbm>>)
      tpu.yield
    }) : () -> ()
    %dma_start3A_42 = arith.constant 64 : i32
    %dma_start3A_43 = tpu.memref_slice %arg5[%dma_start3A_42] : memref<128xi32, #tpu.memory_space<vmem>> -> memref<16xi32, #tpu.memory_space<vmem>>
    %dma_start3A_44 = arith.constant 0 : i32
    %dma_start3A_45 = arith.constant 0 : i32
    %dma_start3A_46 = tpu.memref_slice %arg2[%dma_start3A_44, %dma_start3A_45] : memref<16384x2048xf32, #tpu.memory_space<hbm>> -> memref<16384x2048xf32, #tpu.memory_space<hbm>>
    tpu.enqueue_indirect_dma source(%dma_start3A_46 : memref<16384x2048xf32, #tpu.memory_space<hbm>>) target(%arg6 : memref<16x2048xf32, #tpu.memory_space<vmem>>) offsets(%dma_start3A_43 : memref<16xi32, #tpu.memory_space<vmem>>) semaphore(%arg8 : memref<!tpu.dma_semaphore, #tpu.memory_space<semaphore_mem>>)
    %dma_wait3A_47 = arith.constant 48 : i32
    %dma_wait3A_48 = tpu.memref_slice %arg5[%dma_wait3A_47] : memref<128xi32, #tpu.memory_space<vmem>> -> memref<16xi32, #tpu.memory_space<vmem>>
    %dma_wait3A_49 = arith.constant 0 : i32
    %dma_wait3A_50 = arith.constant 0 : i32
    %dma_wait3A_51 = tpu.memref_slice %arg2[%dma_wait3A_49, %dma_wait3A_50] : memref<16384x2048xf32, #tpu.memory_space<hbm>> -> memref<16384x2048xf32, #tpu.memory_space<hbm>>
    tpu.wait_indirect_dma semaphore(%arg9 : memref<!tpu.dma_semaphore, #tpu.memory_space<semaphore_mem>>) src(%dma_wait3A_51 : memref<16384x2048xf32, #tpu.memory_space<hbm>>) dst(%arg7 : memref<16x2048xf32, #tpu.memory_space<vmem>>)
    %add3A_52 = arith.constant 48 : i32
    %add3A_53 = arith.addi %mul3A_2, %add3A_52 : i32
    "tpu.region"() ({
      %run_scoped3A = tpu.sem_alloc : memref<!tpu.dma_semaphore, #tpu.memory_space<semaphore_mem>>
      %dma_start3A_97 = arith.constant 0 : i32
      %dma_start3A_98 = tpu.memref_slice %arg4[%add3A_53, %dma_start3A_97] : memref<4096x2048xf32, #tpu.memory_space<hbm>> -> memref<16x2048xf32, #tpu.memory_space<hbm>>
      %dma_start3A_99 = arith.constant 0 : i32
      %dma_start3A_100 = tpu.memref_slice %arg4[%add3A_53, %dma_start3A_99] : memref<4096x2048xf32, #tpu.memory_space<hbm>> -> memref<16x2048xf32, #tpu.memory_space<hbm>>
      tpu.enqueue_dma source(%arg7 : memref<16x2048xf32, #tpu.memory_space<vmem>>) target(%dma_start3A_100 : memref<16x2048xf32, #tpu.memory_space<hbm>>) target_semaphore(%run_scoped3A : memref<!tpu.dma_semaphore, #tpu.memory_space<semaphore_mem>>)
      %dma_wait3A_101 = arith.constant 0 : i32
      %dma_wait3A_102 = tpu.memref_slice %arg4[%add3A_53, %dma_wait3A_101] : memref<4096x2048xf32, #tpu.memory_space<hbm>> -> memref<16x2048xf32, #tpu.memory_space<hbm>>
      %dma_wait3A_103 = arith.constant 0 : i32
      %dma_wait3A_104 = tpu.memref_slice %arg4[%add3A_53, %dma_wait3A_103] : memref<4096x2048xf32, #tpu.memory_space<hbm>> -> memref<16x2048xf32, #tpu.memory_space<hbm>>
      tpu.wait_dma2 semaphore(%run_scoped3A : memref<!tpu.dma_semaphore, #tpu.memory_space<semaphore_mem>>) src(%arg7 : memref<16x2048xf32, #tpu.memory_space<vmem>>) dst(%dma_wait3A_104 : memref<16x2048xf32, #tpu.memory_space<hbm>>)
      tpu.yield
    }) : () -> ()
    %dma_start3A_54 = arith.constant 80 : i32
    %dma_start3A_55 = tpu.memref_slice %arg5[%dma_start3A_54] : memref<128xi32, #tpu.memory_space<vmem>> -> memref<16xi32, #tpu.memory_space<vmem>>
    %dma_start3A_56 = arith.constant 0 : i32
    %dma_start3A_57 = arith.constant 0 : i32
    %dma_start3A_58 = tpu.memref_slice %arg2[%dma_start3A_56, %dma_start3A_57] : memref<16384x2048xf32, #tpu.memory_space<hbm>> -> memref<16384x2048xf32, #tpu.memory_space<hbm>>
    tpu.enqueue_indirect_dma source(%dma_start3A_58 : memref<16384x2048xf32, #tpu.memory_space<hbm>>) target(%arg7 : memref<16x2048xf32, #tpu.memory_space<vmem>>) offsets(%dma_start3A_55 : memref<16xi32, #tpu.memory_space<vmem>>) semaphore(%arg9 : memref<!tpu.dma_semaphore, #tpu.memory_space<semaphore_mem>>)
    %dma_wait3A_59 = arith.constant 64 : i32
    %dma_wait3A_60 = tpu.memref_slice %arg5[%dma_wait3A_59] : memref<128xi32, #tpu.memory_space<vmem>> -> memref<16xi32, #tpu.memory_space<vmem>>
    %dma_wait3A_61 = arith.constant 0 : i32
    %dma_wait3A_62 = arith.constant 0 : i32
    %dma_wait3A_63 = tpu.memref_slice %arg2[%dma_wait3A_61, %dma_wait3A_62] : memref<16384x2048xf32, #tpu.memory_space<hbm>> -> memref<16384x2048xf32, #tpu.memory_space<hbm>>
    tpu.wait_indirect_dma semaphore(%arg8 : memref<!tpu.dma_semaphore, #tpu.memory_space<semaphore_mem>>) src(%dma_wait3A_63 : memref<16384x2048xf32, #tpu.memory_space<hbm>>) dst(%arg6 : memref<16x2048xf32, #tpu.memory_space<vmem>>)
    %add3A_64 = arith.constant 64 : i32
    %add3A_65 = arith.addi %mul3A_2, %add3A_64 : i32
    "tpu.region"() ({
      %run_scoped3A = tpu.sem_alloc : memref<!tpu.dma_semaphore, #tpu.memory_space<semaphore_mem>>
      %dma_start3A_97 = arith.constant 0 : i32
      %dma_start3A_98 = tpu.memref_slice %arg4[%add3A_65, %dma_start3A_97] : memref<4096x2048xf32, #tpu.memory_space<hbm>> -> memref<16x2048xf32, #tpu.memory_space<hbm>>
      %dma_start3A_99 = arith.constant 0 : i32
      %dma_start3A_100 = tpu.memref_slice %arg4[%add3A_65, %dma_start3A_99] : memref<4096x2048xf32, #tpu.memory_space<hbm>> -> memref<16x2048xf32, #tpu.memory_space<hbm>>
      tpu.enqueue_dma source(%arg6 : memref<16x2048xf32, #tpu.memory_space<vmem>>) target(%dma_start3A_100 : memref<16x2048xf32, #tpu.memory_space<hbm>>) target_semaphore(%run_scoped3A : memref<!tpu.dma_semaphore, #tpu.memory_space<semaphore_mem>>)
      %dma_wait3A_101 = arith.constant 0 : i32
      %dma_wait3A_102 = tpu.memref_slice %arg4[%add3A_65, %dma_wait3A_101] : memref<4096x2048xf32, #tpu.memory_space<hbm>> -> memref<16x2048xf32, #tpu.memory_space<hbm>>
      %dma_wait3A_103 = arith.constant 0 : i32
      %dma_wait3A_104 = tpu.memref_slice %arg4[%add3A_65, %dma_wait3A_103] : memref<4096x2048xf32, #tpu.memory_space<hbm>> -> memref<16x2048xf32, #tpu.memory_space<hbm>>
      tpu.wait_dma2 semaphore(%run_scoped3A : memref<!tpu.dma_semaphore, #tpu.memory_space<semaphore_mem>>) src(%arg6 : memref<16x2048xf32, #tpu.memory_space<vmem>>) dst(%dma_wait3A_104 : memref<16x2048xf32, #tpu.memory_space<hbm>>)
      tpu.yield
    }) : () -> ()
    %dma_start3A_66 = arith.constant 96 : i32
    %dma_start3A_67 = tpu.memref_slice %arg5[%dma_start3A_66] : memref<128xi32, #tpu.memory_space<vmem>> -> memref<16xi32, #tpu.memory_space<vmem>>
    %dma_start3A_68 = arith.constant 0 : i32
    %dma_start3A_69 = arith.constant 0 : i32
    %dma_start3A_70 = tpu.memref_slice %arg2[%dma_start3A_68, %dma_start3A_69] : memref<16384x2048xf32, #tpu.memory_space<hbm>> -> memref<16384x2048xf32, #tpu.memory_space<hbm>>
    tpu.enqueue_indirect_dma source(%dma_start3A_70 : memref<16384x2048xf32, #tpu.memory_space<hbm>>) target(%arg6 : memref<16x2048xf32, #tpu.memory_space<vmem>>) offsets(%dma_start3A_67 : memref<16xi32, #tpu.memory_space<vmem>>) semaphore(%arg8 : memref<!tpu.dma_semaphore, #tpu.memory_space<semaphore_mem>>)
    %dma_wait3A_71 = arith.constant 80 : i32
    %dma_wait3A_72 = tpu.memref_slice %arg5[%dma_wait3A_71] : memref<128xi32, #tpu.memory_space<vmem>> -> memref<16xi32, #tpu.memory_space<vmem>>
    %dma_wait3A_73 = arith.constant 0 : i32
    %dma_wait3A_74 = arith.constant 0 : i32
    %dma_wait3A_75 = tpu.memref_slice %arg2[%dma_wait3A_73, %dma_wait3A_74] : memref<16384x2048xf32, #tpu.memory_space<hbm>> -> memref<16384x2048xf32, #tpu.memory_space<hbm>>
    tpu.wait_indirect_dma semaphore(%arg9 : memref<!tpu.dma_semaphore, #tpu.memory_space<semaphore_mem>>) src(%dma_wait3A_75 : memref<16384x2048xf32, #tpu.memory_space<hbm>>) dst(%arg7 : memref<16x2048xf32, #tpu.memory_space<vmem>>)
    %add3A_76 = arith.constant 80 : i32
    %add3A_77 = arith.addi %mul3A_2, %add3A_76 : i32
    "tpu.region"() ({
      %run_scoped3A = tpu.sem_alloc : memref<!tpu.dma_semaphore, #tpu.memory_space<semaphore_mem>>
      %dma_start3A_97 = arith.constant 0 : i32
      %dma_start3A_98 = tpu.memref_slice %arg4[%add3A_77, %dma_start3A_97] : memref<4096x2048xf32, #tpu.memory_space<hbm>> -> memref<16x2048xf32, #tpu.memory_space<hbm>>
      %dma_start3A_99 = arith.constant 0 : i32
      %dma_start3A_100 = tpu.memref_slice %arg4[%add3A_77, %dma_start3A_99] : memref<4096x2048xf32, #tpu.memory_space<hbm>> -> memref<16x2048xf32, #tpu.memory_space<hbm>>
      tpu.enqueue_dma source(%arg7 : memref<16x2048xf32, #tpu.memory_space<vmem>>) target(%dma_start3A_100 : memref<16x2048xf32, #tpu.memory_space<hbm>>) target_semaphore(%run_scoped3A : memref<!tpu.dma_semaphore, #tpu.memory_space<semaphore_mem>>)
      %dma_wait3A_101 = arith.constant 0 : i32
      %dma_wait3A_102 = tpu.memref_slice %arg4[%add3A_77, %dma_wait3A_101] : memref<4096x2048xf32, #tpu.memory_space<hbm>> -> memref<16x2048xf32, #tpu.memory_space<hbm>>
      %dma_wait3A_103 = arith.constant 0 : i32
      %dma_wait3A_104 = tpu.memref_slice %arg4[%add3A_77, %dma_wait3A_103] : memref<4096x2048xf32, #tpu.memory_space<hbm>> -> memref<16x2048xf32, #tpu.memory_space<hbm>>
      tpu.wait_dma2 semaphore(%run_scoped3A : memref<!tpu.dma_semaphore, #tpu.memory_space<semaphore_mem>>) src(%arg7 : memref<16x2048xf32, #tpu.memory_space<vmem>>) dst(%dma_wait3A_104 : memref<16x2048xf32, #tpu.memory_space<hbm>>)
      tpu.yield
    }) : () -> ()
    %dma_start3A_78 = arith.constant 112 : i32
    %dma_start3A_79 = tpu.memref_slice %arg5[%dma_start3A_78] : memref<128xi32, #tpu.memory_space<vmem>> -> memref<16xi32, #tpu.memory_space<vmem>>
    %dma_start3A_80 = arith.constant 0 : i32
    %dma_start3A_81 = arith.constant 0 : i32
    %dma_start3A_82 = tpu.memref_slice %arg2[%dma_start3A_80, %dma_start3A_81] : memref<16384x2048xf32, #tpu.memory_space<hbm>> -> memref<16384x2048xf32, #tpu.memory_space<hbm>>
    tpu.enqueue_indirect_dma source(%dma_start3A_82 : memref<16384x2048xf32, #tpu.memory_space<hbm>>) target(%arg7 : memref<16x2048xf32, #tpu.memory_space<vmem>>) offsets(%dma_start3A_79 : memref<16xi32, #tpu.memory_space<vmem>>) semaphore(%arg9 : memref<!tpu.dma_semaphore, #tpu.memory_space<semaphore_mem>>)
    %dma_wait3A_83 = arith.constant 96 : i32
    %dma_wait3A_84 = tpu.memref_slice %arg5[%dma_wait3A_83] : memref<128xi32, #tpu.memory_space<vmem>> -> memref<16xi32, #tpu.memory_space<vmem>>
    %dma_wait3A_85 = arith.constant 0 : i32
    %dma_wait3A_86 = arith.constant 0 : i32
    %dma_wait3A_87 = tpu.memref_slice %arg2[%dma_wait3A_85, %dma_wait3A_86] : memref<16384x2048xf32, #tpu.memory_space<hbm>> -> memref<16384x2048xf32, #tpu.memory_space<hbm>>
    tpu.wait_indirect_dma semaphore(%arg8 : memref<!tpu.dma_semaphore, #tpu.memory_space<semaphore_mem>>) src(%dma_wait3A_87 : memref<16384x2048xf32, #tpu.memory_space<hbm>>) dst(%arg6 : memref<16x2048xf32, #tpu.memory_space<vmem>>)
    %add3A_88 = arith.constant 96 : i32
    %add3A_89 = arith.addi %mul3A_2, %add3A_88 : i32
    "tpu.region"() ({
      %run_scoped3A = tpu.sem_alloc : memref<!tpu.dma_semaphore, #tpu.memory_space<semaphore_mem>>
      %dma_start3A_97 = arith.constant 0 : i32
      %dma_start3A_98 = tpu.memref_slice %arg4[%add3A_89, %dma_start3A_97] : memref<4096x2048xf32, #tpu.memory_space<hbm>> -> memref<16x2048xf32, #tpu.memory_space<hbm>>
      %dma_start3A_99 = arith.constant 0 : i32
      %dma_start3A_100 = tpu.memref_slice %arg4[%add3A_89, %dma_start3A_99] : memref<4096x2048xf32, #tpu.memory_space<hbm>> -> memref<16x2048xf32, #tpu.memory_space<hbm>>
      tpu.enqueue_dma source(%arg6 : memref<16x2048xf32, #tpu.memory_space<vmem>>) target(%dma_start3A_100 : memref<16x2048xf32, #tpu.memory_space<hbm>>) target_semaphore(%run_scoped3A : memref<!tpu.dma_semaphore, #tpu.memory_space<semaphore_mem>>)
      %dma_wait3A_101 = arith.constant 0 : i32
      %dma_wait3A_102 = tpu.memref_slice %arg4[%add3A_89, %dma_wait3A_101] : memref<4096x2048xf32, #tpu.memory_space<hbm>> -> memref<16x2048xf32, #tpu.memory_space<hbm>>
      %dma_wait3A_103 = arith.constant 0 : i32
      %dma_wait3A_104 = tpu.memref_slice %arg4[%add3A_89, %dma_wait3A_103] : memref<4096x2048xf32, #tpu.memory_space<hbm>> -> memref<16x2048xf32, #tpu.memory_space<hbm>>
      tpu.wait_dma2 semaphore(%run_scoped3A : memref<!tpu.dma_semaphore, #tpu.memory_space<semaphore_mem>>) src(%arg6 : memref<16x2048xf32, #tpu.memory_space<vmem>>) dst(%dma_wait3A_104 : memref<16x2048xf32, #tpu.memory_space<hbm>>)
      tpu.yield
    }) : () -> ()
    %dma_wait3A_90 = arith.constant 112 : i32
    %dma_wait3A_91 = tpu.memref_slice %arg5[%dma_wait3A_90] : memref<128xi32, #tpu.memory_space<vmem>> -> memref<16xi32, #tpu.memory_space<vmem>>
    %dma_wait3A_92 = arith.constant 0 : i32
    %dma_wait3A_93 = arith.constant 0 : i32
    %dma_wait3A_94 = tpu.memref_slice %arg2[%dma_wait3A_92, %dma_wait3A_93] : memref<16384x2048xf32, #tpu.memory_space<hbm>> -> memref<16384x2048xf32, #tpu.memory_space<hbm>>
    tpu.wait_indirect_dma semaphore(%arg9 : memref<!tpu.dma_semaphore, #tpu.memory_space<semaphore_mem>>) src(%dma_wait3A_94 : memref<16384x2048xf32, #tpu.memory_space<hbm>>) dst(%arg7 : memref<16x2048xf32, #tpu.memory_space<vmem>>)
    %add3A_95 = arith.constant 112 : i32
    %add3A_96 = arith.addi %mul3A_2, %add3A_95 : i32
    "tpu.region"() ({
      %run_scoped3A = tpu.sem_alloc : memref<!tpu.dma_semaphore, #tpu.memory_space<semaphore_mem>>
      %dma_start3A_97 = arith.constant 0 : i32
      %dma_start3A_98 = tpu.memref_slice %arg4[%add3A_96, %dma_start3A_97] : memref<4096x2048xf32, #tpu.memory_space<hbm>> -> memref<16x2048xf32, #tpu.memory_space<hbm>>
      %dma_start3A_99 = arith.constant 0 : i32
      %dma_start3A_100 = tpu.memref_slice %arg4[%add3A_96, %dma_start3A_99] : memref<4096x2048xf32, #tpu.memory_space<hbm>> -> memref<16x2048xf32, #tpu.memory_space<hbm>>
      tpu.enqueue_dma source(%arg7 : memref<16x2048xf32, #tpu.memory_space<vmem>>) target(%dma_start3A_100 : memref<16x2048xf32, #tpu.memory_space<hbm>>) target_semaphore(%run_scoped3A : memref<!tpu.dma_semaphore, #tpu.memory_space<semaphore_mem>>)
      %dma_wait3A_101 = arith.constant 0 : i32
      %dma_wait3A_102 = tpu.memref_slice %arg4[%add3A_96, %dma_wait3A_101] : memref<4096x2048xf32, #tpu.memory_space<hbm>> -> memref<16x2048xf32, #tpu.memory_space<hbm>>
      %dma_wait3A_103 = arith.constant 0 : i32
      %dma_wait3A_104 = tpu.memref_slice %arg4[%add3A_96, %dma_wait3A_103] : memref<4096x2048xf32, #tpu.memory_space<hbm>> -> memref<16x2048xf32, #tpu.memory_space<hbm>>
      tpu.wait_dma2 semaphore(%run_scoped3A : memref<!tpu.dma_semaphore, #tpu.memory_space<semaphore_mem>>) src(%arg7 : memref<16x2048xf32, #tpu.memory_space<vmem>>) dst(%dma_wait3A_104 : memref<16x2048xf32, #tpu.memory_space<hbm>>)
      tpu.yield
    }) : () -> ()
    return
  }
}

</mosaic_0001>

<sc_bundles>
// kernel: _sc_gather.3.cloned.1.call-start
scs
__scs_entry_jumppad:
0x0: {  	(pc) =	sbr.rel $0x88, $3  }
0x1: {  	(tag) =	ssettag $0x0;
	lr =	simm.s32 $0x1  }
0x2: {  	[smem:$0x3F9F] =	sst lr;
	_ =	strace $0xD0000000  }
0x3: {  	_ = 	snop  }
0x4: {  	_ = 	snop  }
0x5: {  	_ = 	snop  }
0x6: {  	_ = 	snop  }
0x7: {  	_ = 	snop  }
__scs_overlays_trampoline_lowered:
0x8: {  	[smem:$0x3FAE] =	sst s0  }
0x9: {  	[smem:$0x3FAF] =	sst s1  }
0xa: {  	[smem:$0x3FB0] =	sst s2  }
0xb: {  	[smem:$0x3FB1] =	sst s3  }
0xc: {  	[smem:$0x3FB2] =	sst s4  }
0xd: {  	[smem:$0x3FB3] =	sst s5  }
0xe: {  	[smem:$0x3FB4] =	sst s6  }
0xf: {  	[smem:$0x3FB5] =	sst s7  }
0x10: {  	[smem:$0x3FB6] =	sst s8  }
0x11: {  	[smem:$0x3FB7] =	sst s9;
	s0 =	simm.s32 @!p0 $0x0  }
0x12: {  	s1 =	sld [smem:$0x3F9D];
	s0 =	simm.s32 @p0 $0x1  }
0x13: {  	[smem:$0x3FB8] =	sst s0;
	s0 =	simm.s32 @!p1 $0x0  }
0x14: {  	s2 =	sld [smem:$0x3F9C];
	s0 =	simm.s32 @p1 $0x1  }
0x15: {  	[smem:$0x3FB9] =	sst s0;
	s0 =	simm.s32 @!p2 $0x0  }
0x16: {  	s3 =	sld [smem:$0x3FDB];
	s0 =	simm.s32 @p2 $0x1  }
0x17: {  	s4 =	simm.s32 $0x1BF5;
	[smem:$0x3FBB] =	sst s0  }
0x18: {  	s0 =	sld [smem:$0x3F9E];
	_ =	swait.ge [sflag:s4], $0x0  }
0x19: {  	s7 =	sld [smem:$0x3F9F]  }
0x1a: {  	s8 =	sadd.s32 $0xFFFFE003, lr  }
0x1b: {  	s9 =	sadd.s32 $0xFFFFFEF7, lr;
	s5 =	simm.s32 $0xFFFFFFFF;
	p2 =	slt.u32 s8, $0xFFFFF086  }
0x1c: {  	p1 =	slt.u32 s9, $0xF7A;
	s5 =	simm.s32 @!p2 $0x0  }
0x1d: {  	s5 =	simm.s32 @p1 $0x1;
	p0 =	seq.s32 s7, s2  }
0x1e: {  	s7 =	smul.u32 @!p0 $0xF7A, s2;
	p2 =	seq.s32 @!p0 s5, $0x0  }
0x1f: {  	s9 =	smul.u32 $0xF7A, s1;
	s8 =	simm.s32 @!p0 $0x1BF5;
	p2 =	por !p2, p0  }
0x20: {  	[sflag:s8] =	ssyncset.s32 @!p0 $0xFFFFF086;
	s6 =	sadd.s32 @!p0 s3, s7;
	s7 =	simm.s32 @!p0 $0x108  }
0x21: {  	s3 =	sadd.s32 s3, s9;
	s6 =	sadd.s32 @!p0 $0x88, s6;
	s7 =	simm.s32 @p2 $0x1082  }
0x22: {  	[simem:s7], [sflag:s8] =	dma.local @!p0 [hbm:s6], $0xF7A  }
0x23: {  	s9 =	sor.u32 $0xD0000000, s2;
	s6 =	simm.s32 $0x108;
	_ =	swait.ge @!p0 [sflag:s8], $0x0  }
0x24: {  	s3 =	sadd.s32 $0x88, s3;
	s6 =	simm.s32 @!p1 $0x1082;
	[sflag:s4] =	ssyncset.s32 $0xFFFFF086  }
0x25: {  	[simem:s6], [sflag:s4] =	dma.local [hbm:s3], $0xF7A  }
0x26: {  	[smem:$0x3F9F] =	sst s1;
	(tag) =	ssettag s2;
	_ =	strace s9  }
0x27: {  	s1 =	sld [smem:$0x3FAF]  }
0x28: {  	s2 =	sld [smem:$0x3FB0]  }
0x29: {  	s4 =	sld [smem:$0x3FB2]  }
0x2a: {  	p0 =	seq.s32 s5, $0x0;
	s5 =	sld [smem:$0x3FB3]  }
0x2b: {  	s6 =	sld [smem:$0x3FB4]  }
0x2c: {  	s7 =	sld [smem:$0x3FB5]  }
0x2d: {  	s3 =	simm.s32 $0x108;
	s8 =	sld [smem:$0x3FB6]  }
0x2e: {  	s3 =	simm.s32 @!p0 $0x1082;
	s9 =	sld [smem:$0x3FB7]  }
0x2f: {  	lr =	sadd.s32 s0, s3;
	s0 =	sld [smem:$0x3FAE]  }
0x30: {  	s3 =	sld [smem:$0x3FB1]  }
0x31: {  	[smem:$0x3FBA] =	sst s10  }
0x32: {  	s10 =	sld [smem:$0x3FB8];
	_ =	sdelay $0x3  }
0x33: {  	p0 =	seq.s32 s10, $0x1;
	s10 =	sld [smem:$0x3FBA];
	_ =	sdelay $0x3  }
0x34: {  	[smem:$0x3FBA] =	sst s10  }
0x35: {  	s10 =	sld [smem:$0x3FB9];
	_ =	sdelay $0x3  }
0x36: {  	p1 =	seq.s32 s10, $0x1;
	s10 =	sld [smem:$0x3FBA];
	_ =	sdelay $0x3  }
0x37: {  	[smem:$0x3FBA] =	sst s10  }
0x38: {  	s10 =	sld [smem:$0x3FBB]  }
0x39: {  	_ = 	snop;
	(pc) =	sbr.ind lr, $3  }
0x3a: {  	_ = 	snop  }
0x3b: {  	_ = 	snop  }
0x3c: {  	p2 =	seq.s32 s10, $0x1;
	s10 =	sld [smem:$0x3FBA]  }
0x3d: {  	_ =	shalt  }
0x3e: {  	_ =	shalt  }
0x3f: {  	_ =	shalt  }
0x40: {  	_ =	shalt  }
0x41: {  	_ =	shalt  }
0x42: {  	_ =	shalt  }
0x43: {  	_ =	shalt  }
0x44: {  	_ =	shalt  }
0x45: {  	_ =	shalt  }
0x46: {  	_ =	shalt  }
0x47: {  	_ =	shalt  }
0x48: {  	_ =	shalt  }
0x49: {  	_ =	shalt  }
0x4a: {  	_ =	shalt  }
0x4b: {  	_ =	shalt  }
0x4c: {  	_ =	shalt  }
0x4d: {  	_ =	shalt  }
0x4e: {  	_ =	shalt  }
0x4f: {  	_ =	shalt  }
0x50: {  	_ =	shalt  }
0x51: {  	_ =	shalt  }
0x52: {  	_ =	shalt  }
0x53: {  	_ =	shalt  }
0x54: {  	_ =	shalt  }
0x55: {  	_ =	shalt  }
0x56: {  	_ =	shalt  }
0x57: {  	_ =	shalt  }
0x58: {  	_ =	shalt  }
0x59: {  	_ =	shalt  }
0x5a: {  	_ =	shalt  }
0x5b: {  	_ =	shalt  }
0x5c: {  	_ =	shalt  }
0x5d: {  	_ =	shalt  }
0x5e: {  	_ =	shalt  }
0x5f: {  	_ =	shalt  }
0x60: {  	_ =	shalt  }
0x61: {  	_ =	shalt  }
0x62: {  	_ =	shalt  }
0x63: {  	_ =	shalt  }
0x64: {  	_ =	shalt  }
0x65: {  	_ =	shalt  }
0x66: {  	_ =	shalt  }
0x67: {  	_ =	shalt  }
0x68: {  	_ =	shalt  }
0x69: {  	_ =	shalt  }
0x6a: {  	_ =	shalt  }
0x6b: {  	_ =	shalt  }
0x6c: {  	_ =	shalt  }
0x6d: {  	_ =	shalt  }
0x6e: {  	_ =	shalt  }
0x6f: {  	_ =	shalt  }
0x70: {  	_ =	shalt  }
0x71: {  	_ =	shalt  }
0x72: {  	_ =	shalt  }
0x73: {  	_ =	shalt  }
0x74: {  	_ =	shalt  }
0x75: {  	_ =	shalt  }
0x76: {  	_ =	shalt  }
0x77: {  	_ =	shalt  }
0x78: {  	_ =	shalt  }
0x79: {  	_ =	shalt  }
0x7a: {  	_ =	shalt  }
0x7b: {  	_ =	shalt  }
0x7c: {  	_ =	shalt  }
0x7d: {  	_ =	shalt  }
0x7e: {  	_ =	shalt  }
0x7f: {  	_ =	shalt  }
0x80: {  	_ =	shalt  }
0x81: {  	_ =	shalt  }
0x82: {  	_ =	shalt  }
0x83: {  	_ =	shalt  }
0x84: {  	_ =	shalt  }
0x85: {  	_ =	shalt  }
0x86: {  	_ =	shalt  }
0x87: {  	_ =	shalt  }
.Lfunc_end0:
.L_simem_size_0:
called_computation_lowered:
.L_overlay_start_0:
0x88: {  	s2 =	sld [smem:$0x3FD9]  }
0x89: {  	s3 =	sld [smem:$0x3FFE];
	_ =	sdelay $0x1  }
0x8a: {  	s1 =	srdreg.scid  }
0x8b: {  	s0 =	sand.u32 $0x1, s1  }
0x8c: {  	s18 =	sshll.u32 s0, $0xA;
	s2 =	sadd.s32 s3, s2  }
0x8d: {  	s2 =	sadd.s32 s2, s18  }
0x8e: {  	[smem:$0x3FC6] =	sst s2  }
0x8f: {  	_ = 	snop  }
0x90: {  	s2 =	sld [smem:$0x3FC9]  }
0x91: {  	s19 =	sld [smem:$0x3FC8]  }
0x92: {  	s4 =	sld [smem:$0x3FD0];
	(tm) =	ssettm $0x1  }
0x93: {  	s5 =	sld [smem:$0x3FFB];
	_ =	sdelay $0x3  }
0x94: {  	_ =	strace s5  }
0x95: {  	s5 =	sld [smem:$0x3FFC];
	_ =	sdelay $0x3  }
0x96: {  	_ =	strace s5  }
0x97: {  	s5 =	sld [smem:$0x3FFD];
	_ =	sdelay $0x3  }
0x98: {  	_ =	strace s5  }
0x99: {  	_ =	strace $0x8FFFFFFF  }
0x9a: {  	s20 =	sld [smem:$0x3FDB];
	_ =	sdelay $0x1  }
0x9b: {  	s6 =	simm.s32 $_scs_section_size  }
0x9c: {  	s7 =	simm.s32 $_size__tile_overlayer_lowered;
	s8 =	simm.s32 $_tile_overlayer_lowered  }
0x9d: {  	s23 =	simm.s32 $0x1BFF;
	s22 =	sshll.u32 s8, $0x1;
	s5 =	sadd.s32 s6, s20  }
0x9e: {  	s9 =	simm.s32 $0x0;
	s21 =	sshll.u32 s7, $0x1;
	s7 =	sadd.s32 s22, s5  }
0x9f: {  	[timem:s9], [sflag:s23] =	dma.local [hbm:s7], s21  }
0xa0: {  	_ =	swait.ge [sflag:s23], s21  }
0xa1: {  	s6 =	ssub.s32 $0x0, s21;
	[sflag:s23] =	ssyncset.done $0x0  }
0xa2: {  	[sflag:s23] =	ssyncadd.s32 s6;
	_ =	sdelay $0x1  }
0xa3: {  	s24 =	simm.s32 $0x1B8B  }
0xa4: {  	_ =	swait.ge [sflag:s24], $0x1  }
0xa5: {  	[sflag:s24] =	ssyncset.done $0x0  }
0xa6: {  	s25 =	simm.s32 $0x1B8E;
	[sflag:s24] =	ssyncadd.s32 $0xFFFFFFFF  }
0xa7: {  	s26 =	simm.s32 $execute0_lowered;
	[smem:$0x3FD2] =	sst s25  }
0xa8: {  	s6 =	sshll.u32 s26, $0x1;
	_ =	strace $0x80000046;
	[dreg:$0x1] =	wrdreg $0xFFFFFFFF  }
0xa9: {  	s28 =	simm.s32 $_size_execute0_lowered;
	s5 =	sadd.s32 s5, s6;
	[dreg:$0x0] =	wrdreg $0x0  }
0xaa: {  	s6 =	sshll.u32 s28, $0x1;
	[dreg:$0x2] =	wrdreg s5  }
0xab: {  	[dreg:$0x3] =	wrdreg s6  }
0xac: {  	[dreg:$0x4] =	wrdreg $0xC0  }
0xad: {  	_ =	task [dreg:s9], $0x5FFFF  }
0xae: {  	[dreg:$0x1] =	wrdreg $0xFFFFFFFF  }
0xaf: {  	[dreg:$0x0] =	wrdreg $0x60  }
0xb0: {  	[dreg:$0x2] =	wrdreg s2  }
0xb1: {  	[dreg:$0x3] =	wrdreg s19  }
0xb2: {  	[dreg:$0x4] =	wrdreg s4  }
0xb3: {  	[dreg:$0x5] =	wrdreg $0x9  }
0xb4: {  	_ =	task.clear_ibuf [dreg:s9], $0x6FFFF;
	_ =	strace $0x90000046  }
0xb5: {  	s29 =	simm.s32 $0x9;
	_ =	strace $0x80000048  }
0xb6: {  	_ =	swait.ge [sflag:s29], $0x1  }
0xb7: {  	[sflag:s29] =	ssyncadd.s32 $0xFFFFFFFF  }
0xb8: {  	_ =	strace $0x90000048  }
0xb9: {  	_ =	sfence  }
0xba: {  	s30 =	sld [smem:$0x0];
	_ =	sdelay $0x2  }
0xbb: {  	s31 =	sshll.u32 s1, $0xD;
	s1 =	sshrl.u32 s1, $0x2  }
0xbc: {  	s3 =	sand.u32 $0x4000, s31;
	s1 =	sadd.s32 s1, s30  }
0xbd: {  	s0 =	sor.u32 s3, s0;
	s1 =	sshll.u32 s1, $0x11  }
0xbe: {  	s0 =	sor.u32 s1, s0  }
0xbf: {  	s0 =	sadd.s32 $0x8F2B, s0  }
0xc0: {  	[sflag:s0] =	ssyncadd.remote.s32 $0x1  }
0xc1: {  	_ =	sfence.sel $0xFFFF  }
0xc2: {  	[dreg:$0x0] =	wrdreg $0xFFFFFFFF;
	(pc) =	sbr.abs _section_cstart, $3  }
0xc3: {  	[dreg:$0x1] =	wrdreg $0xFFFFFFFF  }
0xc4: {  	_ =	task.clear_ibuf [dreg:s9], $0x2FFFF;
	_ =	strace $0x9FFFFFFF  }
0xc5: {  	(tm) =	ssettm $0x7FFFFFFF  }
tec
execute0_lowered:
.L_overlay_start_1:
0x0: {  	(tag) =	ssettag $0x1  }
0x1: {  	s1 =	rddreg [dreg:$0x0]  }
0x2: {  	s0 =	rddreg [dreg:$0x1]  }
0x3: {  	s2 =	rddreg [dreg:$0x2]  }
0x4: {  	s3 =	srdreg.scid;
	s5 =	stileid.u32  }
0x5: {  	s13 =	simm.s32 $0x3;
	s14 =	simm.s32 $0x80;
	s31 =	simm.s32 $0x8080  }
0x6: {  	s28 =	simm.s32 $0x1;
	s29 =	simm.s32 $0x2;
	s15 =	simm.s32 $0x2080  }
0x7: {  	s16 =	simm.s32 $0x2880;
	s17 =	simm.s32 $0x3080;
	s18 =	simm.s32 $0x3880  }
0x8: {  	s19 =	simm.s32 $0x4080;
	s4 =	sand.u32 $0x1, s3;
	s3 =	simm.s32 $0x0  }
0x9: {  	s5 =	sshll.u32 s5, $0x8;
	s7 =	sadd.s32 $0x300, s1;
	s6 =	sshll.u32 s4, $0x7  }
0xa: {  	s8 =	sadd.s32 $0x400, s1;
	s9 =	sadd.s32 $0x500, s1;
	s5 =	sor.u32 s6, s5  }
0xb: {  	s11 =	sadd.s32 $0x700, s1;
	[smem:$0x7FF] =	sst s3;
	s6 =	sshrl.u32 s5, $0x3  }
0xc: {  	s4 =	ssub.s32 $0x2, s4;
	s5 =	sshll.u32 s5, $0x8;
	s0 =	sadd.s32 s0, s6  }
0xd: {  	_ =	strace $0x80000047;
	s10 =	sadd.s32 s2, s5;
	[dreg:$0x4] =	wrdreg s0  }
0xe: {  	s20 =	sshrl.u32 s4, $0x1;
	s21 =	sadd.s32 $0x1000, s10;
	[dreg:$0xc] =	wrdreg s10  }
0xf: {  	s2 =	ssub.s32 s4, s20;
	s22 =	sadd.s32 $0x2000, s10;
	[dreg:$0x5] =	wrdreg s21  }
0x10: {  	s5 =	sadd.s32 $0x100, s1;
	s23 =	sadd.s32 $0x3000, s10;
	[dreg:$0x6] =	wrdreg s22  }
0x11: {  	s6 =	sadd.s32 $0x200, s1;
	s24 =	sadd.s32 $0x4000, s10;
	[dreg:$0x7] =	wrdreg s23  }
0x12: {  	s4 =	simm.s32 $0x1880;
	s25 =	sadd.s32 $0x5000, s10;
	[dreg:$0x8] =	wrdreg s24  }
0x13: {  	s20 =	simm.s32 $0x4880;
	s26 =	sadd.s32 $0x6000, s10;
	[dreg:$0x9] =	wrdreg s25  }
0x14: {  	s30 =	sadd.s32 $0x7000, s10;
	s10 =	sadd.s32 $0x600, s1;
	[dreg:$0xa] =	wrdreg s26  }
0x15: {  	v2 =	vlaneseq.u32;
	s12 =	smax.u32 s2, $0x1;
	s2 =	simm.s32 $0x1080;
	[dreg:$0xb] =	wrdreg s30  }
0x16: {  	vm0 =	vmmov $0xffff;
	v1 =	vshrl.u32 v2, $0x3;
	s21 =	simm.s32 $0x5080;
	s22 =	simm.s32 $0x5880;
	s23 =	simm.s32 $0x6080  }
0x17: {  	v0 =	vand.u32 $0x7, v2;
	v2 =	vor.u32 $0x8, v2;
	v1 =	vmul.u32 $0x8, v1;
	s24 =	simm.s32 $0x6880;
	s25 =	simm.s32 $0x7080;
	s26 =	simm.s32 $0x7880  }
.LBB2_1:
0x18: {  	s30 =	rddreg [dreg:$0x4]  }
0x19: {  	[tilespmem:s3], [sflag:$0x3] =	stream.linear.gather [hbm4b:s30+s3], $0x80, $0x38;
	[tilespmem:$0x10080] =	vst v63  }
0x1a: {  	_ =	swait.ge [sflag:s13], $0x80  }
0x1b: {  	[sflag:s13] =	ssyncset.done $0x0  }
0x1c: {  	[sflag:s13] =	ssyncadd.s32 $0xFFFFFF80  }
0x1d: {  	v3 =	vld [tilespmem:$0x0];
	_ =	sdelay $0x4  }
0x1e: {  	v4 =	vshll.u32 v3, $0x4  }
0x1f: {  	v3 =	vand.u32 $0x7, v3;
	v4 =	vand.u32 $0xFFFFFF80, v4  }
0x20: {  	v3 =	vor.u32 v3, v4  }
0x21: {  	v4 =	vperm.xlane v3, v0;
	_ =	sdelay $0x1  }
0x22: {  	v4 =	vadd.s32 v1, v4;
	_ =	sdelay $0x4  }
0x23: {  	[tilespmem:s14], [sflag:$0x1] =	stream.indirect_vreg.gather [hbm4b:s1+s3], $0x80, v4, vm0, $0xb8;
	[tilespmem:$0x10080] =	vst v63  }
0x24: {  	s0 =	simm.s32 $0x880  }
0x25: {  	[tilespmem:s0], [sflag:$0x1] =	stream.indirect_vreg.gather [hbm4b:s5+s3], $0x80, v4, vm0, $0xb8;
	[tilespmem:$0x10080] =	vst v63  }
0x26: {  	_ = 	snop  }
0x27: {  	[tilespmem:s2], [sflag:$0x1] =	stream.indirect_vreg.gather [hbm4b:s6+s3], $0x80, v4, vm0, $0xb8;
	[tilespmem:$0x10080] =	vst v63  }
0x28: {  	_ = 	snop  }
0x29: {  	[tilespmem:s4], [sflag:$0x1] =	stream.indirect_vreg.gather [hbm4b:s7+s3], $0x80, v4, vm0, $0xb8;
	[tilespmem:$0x10080] =	vst v63  }
0x2a: {  	_ = 	snop  }
0x2b: {  	[tilespmem:s15], [sflag:$0x1] =	stream.indirect_vreg.gather [hbm4b:s8+s3], $0x80, v4, vm0, $0xb8;
	[tilespmem:$0x10080] =	vst v63  }
0x2c: {  	v3 =	vperm.xlane v3, v2  }
0x2d: {  	[tilespmem:s16], [sflag:$0x1] =	stream.indirect_vreg.gather [hbm4b:s9+s3], $0x80, v4, vm0, $0xb8;
	[tilespmem:$0x10080] =	vst v63  }
0x2e: {  	v3 =	vadd.s32 v1, v3  }
0x2f: {  	[tilespmem:s17], [sflag:$0x1] =	stream.indirect_vreg.gather [hbm4b:s10+s3], $0x80, v4, vm0, $0xb8;
	[tilespmem:$0x10080] =	vst v63  }
0x30: {  	_ = 	snop  }
0x31: {  	[tilespmem:s18], [sflag:$0x1] =	stream.indirect_vreg.gather [hbm4b:s11+s3], $0x80, v4, vm0, $0xb8;
	[tilespmem:$0x10080] =	vst v63  }
0x32: {  	_ = 	snop  }
0x33: {  	[tilespmem:s19], [sflag:$0x1] =	stream.indirect_vreg.gather [hbm4b:s1+s3], $0x80, v3, vm0, $0xb8;
	[tilespmem:$0x10080] =	vst v63  }
0x34: {  	_ = 	snop  }
0x35: {  	[tilespmem:s20], [sflag:$0x1] =	stream.indirect_vreg.gather [hbm4b:s5+s3], $0x80, v3, vm0, $0xb8;
	[tilespmem:$0x10080] =	vst v63  }
0x36: {  	_ = 	snop  }
0x37: {  	[tilespmem:s21], [sflag:$0x1] =	stream.indirect_vreg.gather [hbm4b:s6+s3], $0x80, v3, vm0, $0xb8;
	[tilespmem:$0x10080] =	vst v63  }
0x38: {  	_ = 	snop  }
0x39: {  	[tilespmem:s22], [sflag:$0x1] =	stream.indirect_vreg.gather [hbm4b:s7+s3], $0x80, v3, vm0, $0xb8;
	[tilespmem:$0x10080] =	vst v63  }
0x3a: {  	_ = 	snop  }
0x3b: {  	[tilespmem:s23], [sflag:$0x1] =	stream.indirect_vreg.gather [hbm4b:s8+s3], $0x80, v3, vm0, $0xb8;
	[tilespmem:$0x10080] =	vst v63  }
0x3c: {  	_ = 	snop  }
0x3d: {  	[tilespmem:s24], [sflag:$0x1] =	stream.indirect_vreg.gather [hbm4b:s9+s3], $0x80, v3, vm0, $0xb8;
	[tilespmem:$0x10080] =	vst v63  }
0x3e: {  	_ = 	snop  }
0x3f: {  	[tilespmem:s25], [sflag:$0x1] =	stream.indirect_vreg.gather [hbm4b:s10+s3], $0x80, v3, vm0, $0xb8;
	[tilespmem:$0x10080] =	vst v63  }
0x40: {  	_ = 	snop  }
0x41: {  	[tilespmem:s26], [sflag:$0x1] =	stream.indirect_vreg.gather [hbm4b:s11+s3], $0x80, v3, vm0, $0xb8;
	[tilespmem:$0x10080] =	vst v63  }
0x42: {  	v3 =	vld [tilespmem:$0x10];
	_ =	sdelay $0x4  }
0x43: {  	v57 =	vshll.u32 v3, $0x4  }
0x44: {  	v3 =	vand.u32 $0x7, v3;
	v4 =	vand.u32 $0xFFFFFF80, v57  }
0x45: {  	v3 =	vor.u32 v3, v4  }
0x46: {  	v4 =	vperm.xlane v3, v0;
	_ =	sdelay $0x1  }
0x47: {  	v4 =	vadd.s32 v1, v4;
	_ =	sdelay $0x4  }
0x48: {  	[tilespmem:s31], [sflag:$0x2] =	stream.indirect_vreg.gather [hbm4b:s1+s3], $0x80, v4, vm0, $0xb8;
	[tilespmem:$0x10080] =	vst v63  }
0x49: {  	s30 =	simm.s32 $0x8880  }
0x4a: {  	[tilespmem:s30], [sflag:$0x2] =	stream.indirect_vreg.gather [hbm4b:s5+s3], $0x80, v4, vm0, $0xb8;
	[tilespmem:$0x10080] =	vst v63  }
0x4b: {  	s30 =	simm.s32 $0x9080  }
0x4c: {  	[tilespmem:s30], [sflag:$0x2] =	stream.indirect_vreg.gather [hbm4b:s6+s3], $0x80, v4, vm0, $0xb8;
	[tilespmem:$0x10080] =	vst v63  }
0x4d: {  	s30 =	simm.s32 $0x9880  }
0x4e: {  	[tilespmem:s30], [sflag:$0x2] =	stream.indirect_vreg.gather [hbm4b:s7+s3], $0x80, v4, vm0, $0xb8;
	[tilespmem:$0x10080] =	vst v63  }
0x4f: {  	s30 =	simm.s32 $0xA080  }
0x50: {  	[tilespmem:s30], [sflag:$0x2] =	stream.indirect_vreg.gather [hbm4b:s8+s3], $0x80, v4, vm0, $0xb8;
	[tilespmem:$0x10080] =	vst v63  }
0x51: {  	v3 =	vperm.xlane v3, v2;
	s30 =	simm.s32 $0xA880  }
0x52: {  	[tilespmem:s30], [sflag:$0x2] =	stream.indirect_vreg.gather [hbm4b:s9+s3], $0x80, v4, vm0, $0xb8;
	[tilespmem:$0x10080] =	vst v63  }
0x53: {  	v3 =	vadd.s32 v1, v3;
	s30 =	simm.s32 $0xB080  }
0x54: {  	[tilespmem:s30], [sflag:$0x2] =	stream.indirect_vreg.gather [hbm4b:s10+s3], $0x80, v4, vm0, $0xb8;
	[tilespmem:$0x10080] =	vst v63  }
0x55: {  	s30 =	simm.s32 $0xB880  }
0x56: {  	[tilespmem:s30], [sflag:$0x2] =	stream.indirect_vreg.gather [hbm4b:s11+s3], $0x80, v4, vm0, $0xb8;
	[tilespmem:$0x10080] =	vst v63  }
0x57: {  	s30 =	simm.s32 $0xC080  }
0x58: {  	[tilespmem:s30], [sflag:$0x2] =	stream.indirect_vreg.gather [hbm4b:s1+s3], $0x80, v3, vm0, $0xb8;
	[tilespmem:$0x10080] =	vst v63  }
0x59: {  	s30 =	simm.s32 $0xC880  }
0x5a: {  	[tilespmem:s30], [sflag:$0x2] =	stream.indirect_vreg.gather [hbm4b:s5+s3], $0x80, v3, vm0, $0xb8;
	[tilespmem:$0x10080] =	vst v63  }
0x5b: {  	s30 =	simm.s32 $0xD080  }
0x5c: {  	[tilespmem:s30], [sflag:$0x2] =	stream.indirect_vreg.gather [hbm4b:s6+s3], $0x80, v3, vm0, $0xb8;
	[tilespmem:$0x10080] =	vst v63  }
0x5d: {  	s30 =	simm.s32 $0xD880  }
0x5e: {  	[tilespmem:s30], [sflag:$0x2] =	stream.indirect_vreg.gather [hbm4b:s7+s3], $0x80, v3, vm0, $0xb8;
	[tilespmem:$0x10080] =	vst v63  }
0x5f: {  	s30 =	simm.s32 $0xE080  }
0x60: {  	[tilespmem:s30], [sflag:$0x2] =	stream.indirect_vreg.gather [hbm4b:s8+s3], $0x80, v3, vm0, $0xb8;
	[tilespmem:$0x10080] =	vst v63  }
0x61: {  	s30 =	simm.s32 $0xE880  }
0x62: {  	[tilespmem:s30], [sflag:$0x2] =	stream.indirect_vreg.gather [hbm4b:s9+s3], $0x80, v3, vm0, $0xb8;
	[tilespmem:$0x10080] =	vst v63  }
0x63: {  	s30 =	simm.s32 $0xF080  }
0x64: {  	[tilespmem:s30], [sflag:$0x2] =	stream.indirect_vreg.gather [hbm4b:s10+s3], $0x80, v3, vm0, $0xb8;
	[tilespmem:$0x10080] =	vst v63  }
0x65: {  	s30 =	simm.s32 $0xF880  }
0x66: {  	[tilespmem:s30], [sflag:$0x2] =	stream.indirect_vreg.gather [hbm4b:s11+s3], $0x80, v3, vm0, $0xb8;
	[tilespmem:$0x10080] =	vst v63  }
0x67: {  	_ =	swait.ge [sflag:s28], $0x8000  }
0x68: {  	[sflag:s28] =	ssyncset.done $0x0  }
0x69: {  	s30 =	rddreg [dreg:$0xc];
	[sflag:s28] =	ssyncadd.s32 $0xFFFF8000  }
0x6a: {  	[hbm4b:s30+s3] =	stream.linear.scatter [tilespmem:s14], [sflag:$0x3], $0x8000, $0x38;
	[tilespmem:$0x10080] =	vst v63  }
0x6b: {  	_ =	swait.ge [sflag:s13], $0x8000  }
0x6c: {  	[sflag:s13] =	ssyncset.done $0x0  }
0x6d: {  	[sflag:s13] =	ssyncadd.s32 $0xFFFF8000  }
0x6e: {  	v3 =	vld [tilespmem:$0x20];
	_ =	sdelay $0x4  }
0x6f: {  	v58 =	vshll.u32 v3, $0x4  }
0x70: {  	v3 =	vand.u32 $0x7, v3;
	v4 =	vand.u32 $0xFFFFFF80, v58  }
0x71: {  	v3 =	vor.u32 v3, v4  }
0x72: {  	v4 =	vperm.xlane v3, v0;
	_ =	sdelay $0x1  }
0x73: {  	v4 =	vadd.s32 v1, v4;
	_ =	sdelay $0x4  }
0x74: {  	[tilespmem:s14], [sflag:$0x1] =	stream.indirect_vreg.gather [hbm4b:s1+s3], $0x80, v4, vm0, $0xb8;
	[tilespmem:$0x10080] =	vst v63  }
0x75: {  	_ = 	snop  }
0x76: {  	[tilespmem:s0], [sflag:$0x1] =	stream.indirect_vreg.gather [hbm4b:s5+s3], $0x80, v4, vm0, $0xb8;
	[tilespmem:$0x10080] =	vst v63  }
0x77: {  	_ = 	snop  }
0x78: {  	[tilespmem:s2], [sflag:$0x1] =	stream.indirect_vreg.gather [hbm4b:s6+s3], $0x80, v4, vm0, $0xb8;
	[tilespmem:$0x10080] =	vst v63  }
0x79: {  	_ = 	snop  }
0x7a: {  	[tilespmem:s4], [sflag:$0x1] =	stream.indirect_vreg.gather [hbm4b:s7+s3], $0x80, v4, vm0, $0xb8;
	[tilespmem:$0x10080] =	vst v63  }
0x7b: {  	_ = 	snop  }
0x7c: {  	[tilespmem:s15], [sflag:$0x1] =	stream.indirect_vreg.gather [hbm4b:s8+s3], $0x80, v4, vm0, $0xb8;
	[tilespmem:$0x10080] =	vst v63  }
0x7d: {  	v3 =	vperm.xlane v3, v2  }
0x7e: {  	[tilespmem:s16], [sflag:$0x1] =	stream.indirect_vreg.gather [hbm4b:s9+s3], $0x80, v4, vm0, $0xb8;
	[tilespmem:$0x10080] =	vst v63  }
0x7f: {  	v3 =	vadd.s32 v1, v3  }
0x80: {  	[tilespmem:s17], [sflag:$0x1] =	stream.indirect_vreg.gather [hbm4b:s10+s3], $0x80, v4, vm0, $0xb8;
	[tilespmem:$0x10080] =	vst v63  }
0x81: {  	_ = 	snop  }
0x82: {  	[tilespmem:s18], [sflag:$0x1] =	stream.indirect_vreg.gather [hbm4b:s11+s3], $0x80, v4, vm0, $0xb8;
	[tilespmem:$0x10080] =	vst v63  }
0x83: {  	_ = 	snop  }
0x84: {  	[tilespmem:s19], [sflag:$0x1] =	stream.indirect_vreg.gather [hbm4b:s1+s3], $0x80, v3, vm0, $0xb8;
	[tilespmem:$0x10080] =	vst v63  }
0x85: {  	_ = 	snop  }
0x86: {  	[tilespmem:s20], [sflag:$0x1] =	stream.indirect_vreg.gather [hbm4b:s5+s3], $0x80, v3, vm0, $0xb8;
	[tilespmem:$0x10080] =	vst v63  }
0x87: {  	_ = 	snop  }
0x88: {  	[tilespmem:s21], [sflag:$0x1] =	stream.indirect_vreg.gather [hbm4b:s6+s3], $0x80, v3, vm0, $0xb8;
	[tilespmem:$0x10080] =	vst v63  }
0x89: {  	_ = 	snop  }
0x8a: {  	[tilespmem:s22], [sflag:$0x1] =	stream.indirect_vreg.gather [hbm4b:s7+s3], $0x80, v3, vm0, $0xb8;
	[tilespmem:$0x10080] =	vst v63  }
0x8b: {  	_ = 	snop  }
0x8c: {  	[tilespmem:s23], [sflag:$0x1] =	stream.indirect_vreg.gather [hbm4b:s8+s3], $0x80, v3, vm0, $0xb8;
	[tilespmem:$0x10080] =	vst v63  }
0x8d: {  	_ = 	snop  }
0x8e: {  	[tilespmem:s24], [sflag:$0x1] =	stream.indirect_vreg.gather [hbm4b:s9+s3], $0x80, v3, vm0, $0xb8;
	[tilespmem:$0x10080] =	vst v63  }
0x8f: {  	_ = 	snop  }
0x90: {  	[tilespmem:s25], [sflag:$0x1] =	stream.indirect_vreg.gather [hbm4b:s10+s3], $0x80, v3, vm0, $0xb8;
	[tilespmem:$0x10080] =	vst v63  }
0x91: {  	_ = 	snop  }
0x92: {  	[tilespmem:s26], [sflag:$0x1] =	stream.indirect_vreg.gather [hbm4b:s11+s3], $0x80, v3, vm0, $0xb8;
	[tilespmem:$0x10080] =	vst v63  }
0x93: {  	_ =	swait.ge [sflag:s29], $0x8000  }
0x94: {  	[sflag:s29] =	ssyncset.done $0x0  }
0x95: {  	s30 =	rddreg [dreg:$0x5];
	[sflag:s29] =	ssyncadd.s32 $0xFFFF8000  }
0x96: {  	[hbm4b:s30+s3] =	stream.linear.scatter [tilespmem:s31], [sflag:$0x3], $0x8000, $0x38;
	[tilespmem:$0x10080] =	vst v63  }
0x97: {  	_ =	swait.ge [sflag:s13], $0x8000  }
0x98: {  	[sflag:s13] =	ssyncset.done $0x0  }
0x99: {  	[sflag:s13] =	ssyncadd.s32 $0xFFFF8000  }
0x9a: {  	v3 =	vld [tilespmem:$0x30];
	_ =	sdelay $0x4  }
0x9b: {  	v59 =	vshll.u32 v3, $0x4  }
0x9c: {  	v3 =	vand.u32 $0x7, v3;
	v4 =	vand.u32 $0xFFFFFF80, v59  }
0x9d: {  	v3 =	vor.u32 v3, v4  }
0x9e: {  	v4 =	vperm.xlane v3, v0;
	_ =	sdelay $0x1  }
0x9f: {  	v4 =	vadd.s32 v1, v4;
	_ =	sdelay $0x4  }
0xa0: {  	[tilespmem:s31], [sflag:$0x2] =	stream.indirect_vreg.gather [hbm4b:s1+s3], $0x80, v4, vm0, $0xb8;
	[tilespmem:$0x10080] =	vst v63  }
0xa1: {  	s30 =	simm.s32 $0x8880  }
0xa2: {  	[tilespmem:s30], [sflag:$0x2] =	stream.indirect_vreg.gather [hbm4b:s5+s3], $0x80, v4, vm0, $0xb8;
	[tilespmem:$0x10080] =	vst v63  }
0xa3: {  	s30 =	simm.s32 $0x9080  }
0xa4: {  	[tilespmem:s30], [sflag:$0x2] =	stream.indirect_vreg.gather [hbm4b:s6+s3], $0x80, v4, vm0, $0xb8;
	[tilespmem:$0x10080] =	vst v63  }
0xa5: {  	s30 =	simm.s32 $0x9880  }
0xa6: {  	[tilespmem:s30], [sflag:$0x2] =	stream.indirect_vreg.gather [hbm4b:s7+s3], $0x80, v4, vm0, $0xb8;
	[tilespmem:$0x10080] =	vst v63  }
0xa7: {  	s30 =	simm.s32 $0xA080  }
0xa8: {  	[tilespmem:s30], [sflag:$0x2] =	stream.indirect_vreg.gather [hbm4b:s8+s3], $0x80, v4, vm0, $0xb8;
	[tilespmem:$0x10080] =	vst v63  }
0xa9: {  	v3 =	vperm.xlane v3, v2;
	s30 =	simm.s32 $0xA880  }
0xaa: {  	[tilespmem:s30], [sflag:$0x2] =	stream.indirect_vreg.gather [hbm4b:s9+s3], $0x80, v4, vm0, $0xb8;
	[tilespmem:$0x10080] =	vst v63  }
0xab: {  	v3 =	vadd.s32 v1, v3;
	s30 =	simm.s32 $0xB080  }
0xac: {  	[tilespmem:s30], [sflag:$0x2] =	stream.indirect_vreg.gather [hbm4b:s10+s3], $0x80, v4, vm0, $0xb8;
	[tilespmem:$0x10080] =	vst v63  }
0xad: {  	s30 =	simm.s32 $0xB880  }
0xae: {  	[tilespmem:s30], [sflag:$0x2] =	stream.indirect_vreg.gather [hbm4b:s11+s3], $0x80, v4, vm0, $0xb8;
	[tilespmem:$0x10080] =	vst v63  }
0xaf: {  	s30 =	simm.s32 $0xC080  }
0xb0: {  	[tilespmem:s30], [sflag:$0x2] =	stream.indirect_vreg.gather [hbm4b:s1+s3], $0x80, v3, vm0, $0xb8;
	[tilespmem:$0x10080] =	vst v63  }
0xb1: {  	s30 =	simm.s32 $0xC880  }
0xb2: {  	[tilespmem:s30], [sflag:$0x2] =	stream.indirect_vreg.gather [hbm4b:s5+s3], $0x80, v3, vm0, $0xb8;
	[tilespmem:$0x10080] =	vst v63  }
0xb3: {  	s30 =	simm.s32 $0xD080  }
0xb4: {  	[tilespmem:s30], [sflag:$0x2] =	stream.indirect_vreg.gather [hbm4b:s6+s3], $0x80, v3, vm0, $0xb8;
	[tilespmem:$0x10080] =	vst v63  }
0xb5: {  	s30 =	simm.s32 $0xD880  }
0xb6: {  	[tilespmem:s30], [sflag:$0x2] =	stream.indirect_vreg.gather [hbm4b:s7+s3], $0x80, v3, vm0, $0xb8;
	[tilespmem:$0x10080] =	vst v63  }
0xb7: {  	s30 =	simm.s32 $0xE080  }
0xb8: {  	[tilespmem:s30], [sflag:$0x2] =	stream.indirect_vreg.gather [hbm4b:s8+s3], $0x80, v3, vm0, $0xb8;
	[tilespmem:$0x10080] =	vst v63  }
0xb9: {  	s30 =	simm.s32 $0xE880  }
0xba: {  	[tilespmem:s30], [sflag:$0x2] =	stream.indirect_vreg.gather [hbm4b:s9+s3], $0x80, v3, vm0, $0xb8;
	[tilespmem:$0x10080] =	vst v63  }
0xbb: {  	s30 =	simm.s32 $0xF080  }
0xbc: {  	[tilespmem:s30], [sflag:$0x2] =	stream.indirect_vreg.gather [hbm4b:s10+s3], $0x80, v3, vm0, $0xb8;
	[tilespmem:$0x10080] =	vst v63  }
0xbd: {  	s30 =	simm.s32 $0xF880  }
0xbe: {  	[tilespmem:s30], [sflag:$0x2] =	stream.indirect_vreg.gather [hbm4b:s11+s3], $0x80, v3, vm0, $0xb8;
	[tilespmem:$0x10080] =	vst v63  }
0xbf: {  	_ =	swait.ge [sflag:s28], $0x8000  }
0xc0: {  	[sflag:s28] =	ssyncset.done $0x0  }
0xc1: {  	s30 =	rddreg [dreg:$0x6];
	[sflag:s28] =	ssyncadd.s32 $0xFFFF8000  }
0xc2: {  	[hbm4b:s30+s3] =	stream.linear.scatter [tilespmem:s14], [sflag:$0x3], $0x8000, $0x38;
	[tilespmem:$0x10080] =	vst v63  }
0xc3: {  	_ =	swait.ge [sflag:s13], $0x8000  }
0xc4: {  	[sflag:s13] =	ssyncset.done $0x0  }
0xc5: {  	[sflag:s13] =	ssyncadd.s32 $0xFFFF8000  }
0xc6: {  	v3 =	vld [tilespmem:$0x40];
	_ =	sdelay $0x4  }
0xc7: {  	v60 =	vshll.u32 v3, $0x4  }
0xc8: {  	v3 =	vand.u32 $0x7, v3;
	v4 =	vand.u32 $0xFFFFFF80, v60  }
0xc9: {  	v3 =	vor.u32 v3, v4  }
0xca: {  	v4 =	vperm.xlane v3, v0;
	_ =	sdelay $0x1  }
0xcb: {  	v4 =	vadd.s32 v1, v4;
	_ =	sdelay $0x4  }
0xcc: {  	[tilespmem:s14], [sflag:$0x1] =	stream.indirect_vreg.gather [hbm4b:s1+s3], $0x80, v4, vm0, $0xb8;
	[tilespmem:$0x10080] =	vst v63  }
0xcd: {  	_ = 	snop  }
0xce: {  	[tilespmem:s0], [sflag:$0x1] =	stream.indirect_vreg.gather [hbm4b:s5+s3], $0x80, v4, vm0, $0xb8;
	[tilespmem:$0x10080] =	vst v63  }
0xcf: {  	_ = 	snop  }
0xd0: {  	[tilespmem:s2], [sflag:$0x1] =	stream.indirect_vreg.gather [hbm4b:s6+s3], $0x80, v4, vm0, $0xb8;
	[tilespmem:$0x10080] =	vst v63  }
0xd1: {  	_ = 	snop  }
0xd2: {  	[tilespmem:s4], [sflag:$0x1] =	stream.indirect_vreg.gather [hbm4b:s7+s3], $0x80, v4, vm0, $0xb8;
	[tilespmem:$0x10080] =	vst v63  }
0xd3: {  	_ = 	snop  }
0xd4: {  	[tilespmem:s15], [sflag:$0x1] =	stream.indirect_vreg.gather [hbm4b:s8+s3], $0x80, v4, vm0, $0xb8;
	[tilespmem:$0x10080] =	vst v63  }
0xd5: {  	v3 =	vperm.xlane v3, v2  }
0xd6: {  	[tilespmem:s16], [sflag:$0x1] =	stream.indirect_vreg.gather [hbm4b:s9+s3], $0x80, v4, vm0, $0xb8;
	[tilespmem:$0x10080] =	vst v63  }
0xd7: {  	v3 =	vadd.s32 v1, v3  }
0xd8: {  	[tilespmem:s17], [sflag:$0x1] =	stream.indirect_vreg.gather [hbm4b:s10+s3], $0x80, v4, vm0, $0xb8;
	[tilespmem:$0x10080] =	vst v63  }
0xd9: {  	_ = 	snop  }
0xda: {  	[tilespmem:s18], [sflag:$0x1] =	stream.indirect_vreg.gather [hbm4b:s11+s3], $0x80, v4, vm0, $0xb8;
	[tilespmem:$0x10080] =	vst v63  }
0xdb: {  	_ = 	snop  }
0xdc: {  	[tilespmem:s19], [sflag:$0x1] =	stream.indirect_vreg.gather [hbm4b:s1+s3], $0x80, v3, vm0, $0xb8;
	[tilespmem:$0x10080] =	vst v63  }
0xdd: {  	_ = 	snop  }
0xde: {  	[tilespmem:s20], [sflag:$0x1] =	stream.indirect_vreg.gather [hbm4b:s5+s3], $0x80, v3, vm0, $0xb8;
	[tilespmem:$0x10080] =	vst v63  }
0xdf: {  	_ = 	snop  }
0xe0: {  	[tilespmem:s21], [sflag:$0x1] =	stream.indirect_vreg.gather [hbm4b:s6+s3], $0x80, v3, vm0, $0xb8;
	[tilespmem:$0x10080] =	vst v63  }
0xe1: {  	_ = 	snop  }
0xe2: {  	[tilespmem:s22], [sflag:$0x1] =	stream.indirect_vreg.gather [hbm4b:s7+s3], $0x80, v3, vm0, $0xb8;
	[tilespmem:$0x10080] =	vst v63  }
0xe3: {  	_ = 	snop  }
0xe4: {  	[tilespmem:s23], [sflag:$0x1] =	stream.indirect_vreg.gather [hbm4b:s8+s3], $0x80, v3, vm0, $0xb8;
	[tilespmem:$0x10080] =	vst v63  }
0xe5: {  	_ = 	snop  }
0xe6: {  	[tilespmem:s24], [sflag:$0x1] =	stream.indirect_vreg.gather [hbm4b:s9+s3], $0x80, v3, vm0, $0xb8;
	[tilespmem:$0x10080] =	vst v63  }
0xe7: {  	_ = 	snop  }
0xe8: {  	[tilespmem:s25], [sflag:$0x1] =	stream.indirect_vreg.gather [hbm4b:s10+s3], $0x80, v3, vm0, $0xb8;
	[tilespmem:$0x10080] =	vst v63  }
0xe9: {  	_ = 	snop  }
0xea: {  	[tilespmem:s26], [sflag:$0x1] =	stream.indirect_vreg.gather [hbm4b:s11+s3], $0x80, v3, vm0, $0xb8;
	[tilespmem:$0x10080] =	vst v63  }
0xeb: {  	_ =	swait.ge [sflag:s29], $0x8000  }
0xec: {  	[sflag:s29] =	ssyncset.done $0x0  }
0xed: {  	s30 =	rddreg [dreg:$0x7];
	[sflag:s29] =	ssyncadd.s32 $0xFFFF8000  }
0xee: {  	[hbm4b:s30+s3] =	stream.linear.scatter [tilespmem:s31], [sflag:$0x3], $0x8000, $0x38;
	[tilespmem:$0x10080] =	vst v63  }
0xef: {  	_ =	swait.ge [sflag:s13], $0x8000  }
0xf0: {  	[sflag:s13] =	ssyncset.done $0x0  }
0xf1: {  	[sflag:s13] =	ssyncadd.s32 $0xFFFF8000  }
0xf2: {  	v3 =	vld [tilespmem:$0x50];
	_ =	sdelay $0x4  }
0xf3: {  	v61 =	vshll.u32 v3, $0x4  }
0xf4: {  	v3 =	vand.u32 $0x7, v3;
	v4 =	vand.u32 $0xFFFFFF80, v61  }
0xf5: {  	v3 =	vor.u32 v3, v4  }
0xf6: {  	v4 =	vperm.xlane v3, v0;
	_ =	sdelay $0x1  }
0xf7: {  	v4 =	vadd.s32 v1, v4;
	_ =	sdelay $0x4  }
0xf8: {  	[tilespmem:s31], [sflag:$0x2] =	stream.indirect_vreg.gather [hbm4b:s1+s3], $0x80, v4, vm0, $0xb8;
	[tilespmem:$0x10080] =	vst v63  }
0xf9: {  	s30 =	simm.s32 $0x8880  }
0xfa: {  	[tilespmem:s30], [sflag:$0x2] =	stream.indirect_vreg.gather [hbm4b:s5+s3], $0x80, v4, vm0, $0xb8;
	[tilespmem:$0x10080] =	vst v63  }
0xfb: {  	s30 =	simm.s32 $0x9080  }
0xfc: {  	[tilespmem:s30], [sflag:$0x2] =	stream.indirect_vreg.gather [hbm4b:s6+s3], $0x80, v4, vm0, $0xb8;
	[tilespmem:$0x10080] =	vst v63  }
0xfd: {  	s30 =	simm.s32 $0x9880  }
0xfe: {  	[tilespmem:s30], [sflag:$0x2] =	stream.indirect_vreg.gather [hbm4b:s7+s3], $0x80, v4, vm0, $0xb8;
	[tilespmem:$0x10080] =	vst v63  }
0xff: {  	s30 =	simm.s32 $0xA080  }
0x100: {  	[tilespmem:s30], [sflag:$0x2] =	stream.indirect_vreg.gather [hbm4b:s8+s3], $0x80, v4, vm0, $0xb8;
	[tilespmem:$0x10080] =	vst v63  }
0x101: {  	v3 =	vperm.xlane v3, v2;
	s30 =	simm.s32 $0xA880  }
0x102: {  	[tilespmem:s30], [sflag:$0x2] =	stream.indirect_vreg.gather [hbm4b:s9+s3], $0x80, v4, vm0, $0xb8;
	[tilespmem:$0x10080] =	vst v63  }
0x103: {  	v3 =	vadd.s32 v1, v3;
	s30 =	simm.s32 $0xB080  }
0x104: {  	[tilespmem:s30], [sflag:$0x2] =	stream.indirect_vreg.gather [hbm4b:s10+s3], $0x80, v4, vm0, $0xb8;
	[tilespmem:$0x10080] =	vst v63  }
0x105: {  	s30 =	simm.s32 $0xB880  }
0x106: {  	[tilespmem:s30], [sflag:$0x2] =	stream.indirect_vreg.gather [hbm4b:s11+s3], $0x80, v4, vm0, $0xb8;
	[tilespmem:$0x10080] =	vst v63  }
0x107: {  	s30 =	simm.s32 $0xC080  }
0x108: {  	[tilespmem:s30], [sflag:$0x2] =	stream.indirect_vreg.gather [hbm4b:s1+s3], $0x80, v3, vm0, $0xb8;
	[tilespmem:$0x10080] =	vst v63  }
0x109: {  	s30 =	simm.s32 $0xC880  }
0x10a: {  	[tilespmem:s30], [sflag:$0x2] =	stream.indirect_vreg.gather [hbm4b:s5+s3], $0x80, v3, vm0, $0xb8;
	[tilespmem:$0x10080] =	vst v63  }
0x10b: {  	s30 =	simm.s32 $0xD080  }
0x10c: {  	[tilespmem:s30], [sflag:$0x2] =	stream.indirect_vreg.gather [hbm4b:s6+s3], $0x80, v3, vm0, $0xb8;
	[tilespmem:$0x10080] =	vst v63  }
0x10d: {  	s30 =	simm.s32 $0xD880  }
0x10e: {  	[tilespmem:s30], [sflag:$0x2] =	stream.indirect_vreg.gather [hbm4b:s7+s3], $0x80, v3, vm0, $0xb8;
	[tilespmem:$0x10080] =	vst v63  }
0x10f: {  	s30 =	simm.s32 $0xE080  }
0x110: {  	[tilespmem:s30], [sflag:$0x2] =	stream.indirect_vreg.gather [hbm4b:s8+s3], $0x80, v3, vm0, $0xb8;
	[tilespmem:$0x10080] =	vst v63  }
0x111: {  	s30 =	simm.s32 $0xE880  }
0x112: {  	[tilespmem:s30], [sflag:$0x2] =	stream.indirect_vreg.gather [hbm4b:s9+s3], $0x80, v3, vm0, $0xb8;
	[tilespmem:$0x10080] =	vst v63  }
0x113: {  	s30 =	simm.s32 $0xF080  }
0x114: {  	[tilespmem:s30], [sflag:$0x2] =	stream.indirect_vreg.gather [hbm4b:s10+s3], $0x80, v3, vm0, $0xb8;
	[tilespmem:$0x10080] =	vst v63  }
0x115: {  	s30 =	simm.s32 $0xF880  }
0x116: {  	[tilespmem:s30], [sflag:$0x2] =	stream.indirect_vreg.gather [hbm4b:s11+s3], $0x80, v3, vm0, $0xb8;
	[tilespmem:$0x10080] =	vst v63  }
0x117: {  	_ =	swait.ge [sflag:s28], $0x8000  }
0x118: {  	[sflag:s28] =	ssyncset.done $0x0  }
0x119: {  	s30 =	rddreg [dreg:$0x8];
	[sflag:s28] =	ssyncadd.s32 $0xFFFF8000  }
0x11a: {  	[hbm4b:s30+s3] =	stream.linear.scatter [tilespmem:s14], [sflag:$0x3], $0x8000, $0x38;
	[tilespmem:$0x10080] =	vst v63  }
0x11b: {  	_ =	swait.ge [sflag:s13], $0x8000  }
0x11c: {  	[sflag:s13] =	ssyncset.done $0x0  }
0x11d: {  	[sflag:s13] =	ssyncadd.s32 $0xFFFF8000  }
0x11e: {  	v3 =	vld [tilespmem:$0x60];
	_ =	sdelay $0x4  }
0x11f: {  	v62 =	vshll.u32 v3, $0x4  }
0x120: {  	v3 =	vand.u32 $0x7, v3;
	v4 =	vand.u32 $0xFFFFFF80, v62  }
0x121: {  	v3 =	vor.u32 v3, v4  }
0x122: {  	v4 =	vperm.xlane v3, v0;
	_ =	sdelay $0x1  }
0x123: {  	v4 =	vadd.s32 v1, v4;
	_ =	sdelay $0x4  }
0x124: {  	[tilespmem:s14], [sflag:$0x1] =	stream.indirect_vreg.gather [hbm4b:s1+s3], $0x80, v4, vm0, $0xb8;
	[tilespmem:$0x10080] =	vst v63  }
0x125: {  	_ = 	snop  }
0x126: {  	[tilespmem:s0], [sflag:$0x1] =	stream.indirect_vreg.gather [hbm4b:s5+s3], $0x80, v4, vm0, $0xb8;
	[tilespmem:$0x10080] =	vst v63  }
0x127: {  	_ = 	snop  }
0x128: {  	[tilespmem:s2], [sflag:$0x1] =	stream.indirect_vreg.gather [hbm4b:s6+s3], $0x80, v4, vm0, $0xb8;
	[tilespmem:$0x10080] =	vst v63  }
0x129: {  	_ = 	snop  }
0x12a: {  	[tilespmem:s4], [sflag:$0x1] =	stream.indirect_vreg.gather [hbm4b:s7+s3], $0x80, v4, vm0, $0xb8;
	[tilespmem:$0x10080] =	vst v63  }
0x12b: {  	_ = 	snop  }
0x12c: {  	[tilespmem:s15], [sflag:$0x1] =	stream.indirect_vreg.gather [hbm4b:s8+s3], $0x80, v4, vm0, $0xb8;
	[tilespmem:$0x10080] =	vst v63  }
0x12d: {  	v3 =	vperm.xlane v3, v2  }
0x12e: {  	[tilespmem:s16], [sflag:$0x1] =	stream.indirect_vreg.gather [hbm4b:s9+s3], $0x80, v4, vm0, $0xb8;
	[tilespmem:$0x10080] =	vst v63  }
0x12f: {  	v3 =	vadd.s32 v1, v3  }
0x130: {  	[tilespmem:s17], [sflag:$0x1] =	stream.indirect_vreg.gather [hbm4b:s10+s3], $0x80, v4, vm0, $0xb8;
	[tilespmem:$0x10080] =	vst v63  }
0x131: {  	_ = 	snop  }
0x132: {  	[tilespmem:s18], [sflag:$0x1] =	stream.indirect_vreg.gather [hbm4b:s11+s3], $0x80, v4, vm0, $0xb8;
	[tilespmem:$0x10080] =	vst v63  }
0x133: {  	_ = 	snop  }
0x134: {  	[tilespmem:s19], [sflag:$0x1] =	stream.indirect_vreg.gather [hbm4b:s1+s3], $0x80, v3, vm0, $0xb8;
	[tilespmem:$0x10080] =	vst v63  }
0x135: {  	_ = 	snop  }
0x136: {  	[tilespmem:s20], [sflag:$0x1] =	stream.indirect_vreg.gather [hbm4b:s5+s3], $0x80, v3, vm0, $0xb8;
	[tilespmem:$0x10080] =	vst v63  }
0x137: {  	_ = 	snop  }
0x138: {  	[tilespmem:s21], [sflag:$0x1] =	stream.indirect_vreg.gather [hbm4b:s6+s3], $0x80, v3, vm0, $0xb8;
	[tilespmem:$0x10080] =	vst v63  }
0x139: {  	_ = 	snop  }
0x13a: {  	[tilespmem:s22], [sflag:$0x1] =	stream.indirect_vreg.gather [hbm4b:s7+s3], $0x80, v3, vm0, $0xb8;
	[tilespmem:$0x10080] =	vst v63  }
0x13b: {  	_ = 	snop  }
0x13c: {  	[tilespmem:s23], [sflag:$0x1] =	stream.indirect_vreg.gather [hbm4b:s8+s3], $0x80, v3, vm0, $0xb8;
	[tilespmem:$0x10080] =	vst v63  }
0x13d: {  	_ = 	snop  }
0x13e: {  	[tilespmem:s24], [sflag:$0x1] =	stream.indirect_vreg.gather [hbm4b:s9+s3], $0x80, v3, vm0, $0xb8;
	[tilespmem:$0x10080] =	vst v63  }
0x13f: {  	_ = 	snop  }
0x140: {  	[tilespmem:s25], [sflag:$0x1] =	stream.indirect_vreg.gather [hbm4b:s10+s3], $0x80, v3, vm0, $0xb8;
	[tilespmem:$0x10080] =	vst v63  }
0x141: {  	_ = 	snop  }
0x142: {  	[tilespmem:s26], [sflag:$0x1] =	stream.indirect_vreg.gather [hbm4b:s11+s3], $0x80, v3, vm0, $0xb8;
	[tilespmem:$0x10080] =	vst v63  }
0x143: {  	_ =	swait.ge [sflag:s29], $0x8000  }
0x144: {  	[sflag:s29] =	ssyncset.done $0x0  }
0x145: {  	s0 =	rddreg [dreg:$0x9];
	[sflag:s29] =	ssyncadd.s32 $0xFFFF8000  }
0x146: {  	[hbm4b:s0+s3] =	stream.linear.scatter [tilespmem:s31], [sflag:$0x3], $0x8000, $0x38;
	[tilespmem:$0x10080] =	vst v63  }
0x147: {  	_ =	swait.ge [sflag:s13], $0x8000  }
0x148: {  	[sflag:s13] =	ssyncset.done $0x0  }
0x149: {  	[sflag:s13] =	ssyncadd.s32 $0xFFFF8000  }
0x14a: {  	v3 =	vld [tilespmem:$0x70];
	_ =	sdelay $0x4  }
0x14b: {  	v63 =	vshll.u32 v3, $0x4  }
0x14c: {  	v3 =	vand.u32 $0x7, v3;
	v4 =	vand.u32 $0xFFFFFF80, v63  }
0x14d: {  	v3 =	vor.u32 v3, v4  }
0x14e: {  	v4 =	vperm.xlane v3, v0;
	_ =	sdelay $0x1  }
0x14f: {  	v4 =	vadd.s32 v1, v4;
	_ =	sdelay $0x4  }
0x150: {  	[tilespmem:s31], [sflag:$0x2] =	stream.indirect_vreg.gather [hbm4b:s1+s3], $0x80, v4, vm0, $0xb8;
	[tilespmem:$0x10080] =	vst v63  }
0x151: {  	s30 =	simm.s32 $0x8880  }
0x152: {  	[tilespmem:s30], [sflag:$0x2] =	stream.indirect_vreg.gather [hbm4b:s5+s3], $0x80, v4, vm0, $0xb8;
	[tilespmem:$0x10080] =	vst v63  }
0x153: {  	s30 =	simm.s32 $0x9080  }
0x154: {  	[tilespmem:s30], [sflag:$0x2] =	stream.indirect_vreg.gather [hbm4b:s6+s3], $0x80, v4, vm0, $0xb8;
	[tilespmem:$0x10080] =	vst v63  }
0x155: {  	s30 =	simm.s32 $0x9880  }
0x156: {  	[tilespmem:s30], [sflag:$0x2] =	stream.indirect_vreg.gather [hbm4b:s7+s3], $0x80, v4, vm0, $0xb8;
	[tilespmem:$0x10080] =	vst v63  }
0x157: {  	s30 =	simm.s32 $0xA080  }
0x158: {  	[tilespmem:s30], [sflag:$0x2] =	stream.indirect_vreg.gather [hbm4b:s8+s3], $0x80, v4, vm0, $0xb8;
	[tilespmem:$0x10080] =	vst v63  }
0x159: {  	v3 =	vperm.xlane v3, v2;
	s30 =	simm.s32 $0xA880  }
0x15a: {  	[tilespmem:s30], [sflag:$0x2] =	stream.indirect_vreg.gather [hbm4b:s9+s3], $0x80, v4, vm0, $0xb8;
	[tilespmem:$0x10080] =	vst v63  }
0x15b: {  	v3 =	vadd.s32 v1, v3;
	s30 =	simm.s32 $0xB080  }
0x15c: {  	[tilespmem:s30], [sflag:$0x2] =	stream.indirect_vreg.gather [hbm4b:s10+s3], $0x80, v4, vm0, $0xb8;
	[tilespmem:$0x10080] =	vst v63  }
0x15d: {  	s30 =	simm.s32 $0xB880  }
0x15e: {  	[tilespmem:s30], [sflag:$0x2] =	stream.indirect_vreg.gather [hbm4b:s11+s3], $0x80, v4, vm0, $0xb8;
	[tilespmem:$0x10080] =	vst v63  }
0x15f: {  	s30 =	simm.s32 $0xC080  }
0x160: {  	[tilespmem:s30], [sflag:$0x2] =	stream.indirect_vreg.gather [hbm4b:s1+s3], $0x80, v3, vm0, $0xb8;
	[tilespmem:$0x10080] =	vst v63  }
0x161: {  	s30 =	simm.s32 $0xC880  }
0x162: {  	[tilespmem:s30], [sflag:$0x2] =	stream.indirect_vreg.gather [hbm4b:s5+s3], $0x80, v3, vm0, $0xb8;
	[tilespmem:$0x10080] =	vst v63  }
0x163: {  	s30 =	simm.s32 $0xD080  }
0x164: {  	[tilespmem:s30], [sflag:$0x2] =	stream.indirect_vreg.gather [hbm4b:s6+s3], $0x80, v3, vm0, $0xb8;
	[tilespmem:$0x10080] =	vst v63  }
0x165: {  	s30 =	simm.s32 $0xD880  }
0x166: {  	[tilespmem:s30], [sflag:$0x2] =	stream.indirect_vreg.gather [hbm4b:s7+s3], $0x80, v3, vm0, $0xb8;
	[tilespmem:$0x10080] =	vst v63  }
0x167: {  	s30 =	simm.s32 $0xE080  }
0x168: {  	[tilespmem:s30], [sflag:$0x2] =	stream.indirect_vreg.gather [hbm4b:s8+s3], $0x80, v3, vm0, $0xb8;
	[tilespmem:$0x10080] =	vst v63  }
0x169: {  	s30 =	simm.s32 $0xE880  }
0x16a: {  	[tilespmem:s30], [sflag:$0x2] =	stream.indirect_vreg.gather [hbm4b:s9+s3], $0x80, v3, vm0, $0xb8;
	[tilespmem:$0x10080] =	vst v63  }
0x16b: {  	s30 =	simm.s32 $0xF080  }
0x16c: {  	[tilespmem:s30], [sflag:$0x2] =	stream.indirect_vreg.gather [hbm4b:s10+s3], $0x80, v3, vm0, $0xb8;
	[tilespmem:$0x10080] =	vst v63  }
0x16d: {  	s30 =	simm.s32 $0xF880  }
0x16e: {  	[tilespmem:s30], [sflag:$0x2] =	stream.indirect_vreg.gather [hbm4b:s11+s3], $0x80, v3, vm0, $0xb8;
	[tilespmem:$0x10080] =	vst v63  }
0x16f: {  	_ =	swait.ge [sflag:s28], $0x8000  }
0x170: {  	[sflag:s28] =	ssyncset.done $0x0  }
0x171: {  	s0 =	rddreg [dreg:$0xa];
	[sflag:s28] =	ssyncadd.s32 $0xFFFF8000  }
0x172: {  	[hbm4b:s0+s3] =	stream.linear.scatter [tilespmem:s14], [sflag:$0x3], $0x8000, $0x38;
	[tilespmem:$0x10080] =	vst v63  }
0x173: {  	_ =	swait.ge [sflag:s13], $0x8000  }
0x174: {  	[sflag:s13] =	ssyncset.done $0x0  }
0x175: {  	[sflag:s13] =	ssyncadd.s32 $0xFFFF8000  }
0x176: {  	_ =	swait.ge [sflag:s29], $0x8000  }
0x177: {  	p0 =	sne.s32 s12, $0x1;
	[sflag:s29] =	ssyncset.done $0x0  }
.Ltmp0:
0x178: {  	s0 =	rddreg [dreg:$0xb];
	[sflag:s29] =	ssyncadd.s32 $0xFFFF8000;
	(pc) =	sbr.rel @p0 .LBB2_1-.Ltmp0, $4  }
0x179: {  	[hbm4b:s0+s3] =	stream.linear.scatter [tilespmem:s31], [sflag:$0x3], $0x8000, $0x38;
	[tilespmem:$0x10080] =	vst v63  }
0x17a: {  	_ =	swait.ge [sflag:s13], $0x8000  }
0x17b: {  	[sflag:s13] =	ssyncset.done $0x0  }
0x17c: {  	s12 =	sadd.s32 $0xFFFFFFFF, s12;
	[sflag:s13] =	ssyncadd.s32 $0xFFFF8000  }
0x17d: {  	_ =	sfence.sel $0x180000  }
0x17e: {  	[bflag:$0x0] =	sbarrier.arrive $0xFFFF  }
0x17f: {  	_ =	strace $0x90000047  }
0x180: {  	s0 =	stileid.u32;
	[bflag:$0x2] =	sbarrier.arrive $0xFFFF  }
0x181: {  	p0 =	sne.s32 s0, $0x0;
	s0 =	rddreg [dreg:$0x3]  }
0x182: {  	s0 =	sadd.s32 @!p0 $0x100000, s0  }
0x183: {  	[sflag:s0] =	ssyncadd.tile.s32 @!p0 $0x1;
	_ =	shalt  }
.Lfunc_end2:
_tile_overlayer_lowered:
.L_overlay_start_2:
0x184: {  	(tag) =	ssettag $0x2  }
0x185: {  	s0 =	rddreg [dreg:$0x0];
	s2 =	stileid.u32  }
0x186: {  	s1 =	rddreg [dreg:$0x1];
	p0 =	sne.s32 s2, $0x0  }
0x187: {  	s3 =	rddreg [dreg:$0x2];
	[bflag:$0x3] =	sbarrier.arrive $0xFFFF;
	s2 =	simm.s32 @!p0 $0x1C03  }
0x188: {  	[timem:s3], [sflag:s2] =	dma.local @!p0 [hbm:s0], s1  }
0x189: {  	s0 =	simm.s32 @!p0 $0x3  }
0x18a: {  	_ =	swait.ge @!p0 [sflag:s0], s1  }
0x18b: {  	s1 =	ssub.s32 @!p0 $0x0, s1;
	[sflag:s0] =	ssyncset.done @!p0 $0x0  }
0x18c: {  	[sflag:s0] =	ssyncadd.s32 @!p0 s1  }
0x18d: {  	[bflag:$0x3] =	sbarrier.arrive $0xFFFF  }
0x18e: {  	_ =	shalt  }

</sc_bundles>
